<compile_context>
chip_gen: v7x
topology: tpu7x:2x2x1
jax: 0.10.2.dev20260603
libtpu: 0.0.44.dev20260713+nightly
codegen_flags: <defaults>
</compile_context>

<pallas_src>
import functools

import jax
import jax.numpy as jnp
from jax import lax
from jax.experimental import pallas as pl
from jax.experimental.pallas import tpu as pltpu
from jax.experimental.pallas import tpu_sc as plsc

B = 8
N = 8192
G = 512
K = 32
GB = 128

NC = 2
NS = 16
NW = NC * NS
ROWS = B * G * K
RPW = ROWS // NW
CH = RPW // 128
GPW = RPW // K


def _fps_body(x_ref, y_ref, z_ref, fidx_ref, cx_ref, cy_ref, cz_ref):
    x = x_ref[...]
    y = y_ref[...]
    z = z_ref[...]
    n_iota = lax.broadcasted_iota(jnp.int32, (B, N), 1)
    g_iota = lax.broadcasted_iota(jnp.int32, (B, G), 1)

    def body(i, state):
        dist, far, fidx, cxa, cya, cza = state
        sel = n_iota == far
        cx = jnp.sum(jnp.where(sel, x, 0.0), axis=1, keepdims=True)
        cy = jnp.sum(jnp.where(sel, y, 0.0), axis=1, keepdims=True)
        cz = jnp.sum(jnp.where(sel, z, 0.0), axis=1, keepdims=True)
        wm = (g_iota == i).astype(jnp.int32)
        wmf = wm.astype(jnp.float32)
        fidx = fidx + wm * (jnp.broadcast_to(far, (B, G)) - fidx)
        cxa = cxa + wmf * (jnp.broadcast_to(cx, (B, G)) - cxa)
        cya = cya + wmf * (jnp.broadcast_to(cy, (B, G)) - cya)
        cza = cza + wmf * (jnp.broadcast_to(cz, (B, G)) - cza)
        dx = x - cx
        dy = y - cy
        dz = z - cz
        d = dx * dx + dy * dy + dz * dz
        dist = jnp.minimum(dist, d)
        m = jnp.max(dist, axis=1, keepdims=True)
        far = jnp.min(jnp.where(dist == m, n_iota, N), axis=1, keepdims=True)
        return dist, far, fidx, cxa, cya, cza

    init = (
        jnp.maximum(x, 1e10),
        jnp.minimum(lax.broadcasted_iota(jnp.int32, (B, 1), 0), 0),
        jnp.minimum(g_iota, 0),
        jnp.minimum(g_iota, 0).astype(jnp.float32),
        jnp.minimum(g_iota, 0).astype(jnp.float32),
        jnp.minimum(g_iota, 0).astype(jnp.float32),
    )
    _, _, fidx, cxa, cya, cza = lax.fori_loop(0, G, body, init)
    fidx_ref[...] = fidx
    cx_ref[...] = cxa
    cy_ref[...] = cya
    cz_ref[...] = cza


def _knn_body(pf_ref, pb_ref, cf_ref, cb_ref, idx_ref, dist_ref):
    b = pl.program_id(0)
    pf = jnp.reshape(pf_ref[...], (8, N))
    cf = jnp.reshape(cf_ref[...], (GB, 8))
    px = pf[0:1]
    py = pf[1:2]
    pz = pf[2:3]
    cx = cf[:, 0:1]
    cy = cf[:, 1:2]
    cz = cf[:, 2:3]
    inner = lax.dot_general(
        jnp.reshape(cb_ref[...], (GB, 8)),
        jnp.reshape(pb_ref[...], (8, N)),
        (((1,), (0,)), ((), ())),
        preferred_element_type=jnp.float32,
    )
    sq_c = cx * cx + cy * cy + cz * cz
    sq_n = px * px + py * py + pz * pz
    dist = sq_c - 2.0 * inner + sq_n
    dist_ref[...] = dist

    k_iota = lax.broadcasted_iota(jnp.int32, (GB, K), 1)
    base = b * N
    INF = jnp.float32(jnp.inf)

    lane = lax.broadcasted_iota(jnp.int32, (GB, 128), 1)
    rowl = lax.broadcasted_iota(jnp.int32, (GB, 128), 0)
    Z = jnp.minimum(lane + rowl, 0)
    ZF = Z.astype(jnp.float32)

    D = 6
    ms = [dist[:, 0:128]] + [ZF + INF] * (D - 1)
    cs = [Z] * D

    def fold(c, st):
        ms = list(st[:D])
        cs = list(st[D:])
        v = dist_ref[:, pl.ds(pl.multiple_of(c * 128, 128), 128)]
        ccv = Z + c
        lt = [v < m for m in ms]
        nm = [jnp.where(lt[0], v, ms[0])]
        nc = [jnp.where(lt[0], ccv, cs[0])]
        for i in range(1, D):
            nm.append(jnp.where(lt[i - 1], ms[i - 1], jnp.where(lt[i], v, ms[i])))
            nc.append(jnp.where(lt[i - 1], cs[i - 1], jnp.where(lt[i], ccv, cs[i])))
        return tuple(nm) + tuple(nc)

    st = lax.fori_loop(1, N // 128, fold, tuple(ms) + tuple(cs))
    ms = list(st[:D])
    cs = list(st[D:])

    broken0 = jnp.minimum(lax.broadcasted_iota(jnp.int32, (GB, 1), 0), 0)

    def extract(j, state):
        st, acc, broken = state
        ms = list(st[:D])
        cs = list(st[D:])
        n1 = cs[0] * 128 + lane
        m = jnp.min(ms[0], axis=1, keepdims=True)
        nst = jnp.min(jnp.where(ms[0] == m, n1, N), axis=1, keepdims=True)
        wm = (k_iota == j).astype(jnp.int32)
        acc = acc + wm * (jnp.broadcast_to(nst, (GB, K)) - acc)
        upd = lane == jnp.bitwise_and(nst, 127)
        em2 = jnp.min(jnp.where(upd, ms[1], INF), axis=1, keepdims=True)
        broken = jnp.maximum(broken, (em2 == INF).astype(jnp.int32))
        for i in range(D - 1):
            ms[i] = jnp.where(upd, ms[i + 1], ms[i])
            cs[i] = jnp.where(upd, cs[i + 1], cs[i])
        ms[D - 1] = jnp.where(upd, INF, ms[D - 1])
        return tuple(ms) + tuple(cs), acc, broken

    _, acc, broken = lax.fori_loop(
        0, K, extract, (tuple(ms) + tuple(cs), jnp.minimum(k_iota, 0), broken0)
    )
    idx_ref[...] = (acc + base)[None]

    any_broken = jnp.max(broken) > 0

    @pl.when(any_broken)
    def _slow():
        n_iota = lax.broadcasted_iota(jnp.int32, (GB, N), 1)

        def body(j, state):
            d, acc = state
            m = jnp.min(d, axis=1, keepdims=True)
            nstar = jnp.min(jnp.where(d == m, n_iota, N), axis=1, keepdims=True)
            wm = (k_iota == j).astype(jnp.int32)
            acc = acc + wm * (jnp.broadcast_to(nstar, (GB, K)) - acc)
            d = jnp.where(n_iota == nstar, INF, d)
            return d, acc

        _, acc = lax.fori_loop(0, K, body, (dist, jnp.minimum(k_iota, 0)))
        idx_ref[...] = (acc + base)[None]


def _gather_body(pts_ref, idx_ref, out_ref, idx_v, rows_v, sem):
    c = lax.axis_index("c")
    s = lax.axis_index("s")
    w = s * NC + c
    pltpu.sync_copy(idx_ref.at[pl.ds(w * CH, CH)], idx_v)
    copies = [
        pltpu.async_copy(pts_ref.at[idx_v.at[j]], rows_v.at[j], sem)
        for j in range(CH)
    ]
    for cp in copies:
        cp.wait()
    pltpu.sync_copy(rows_v, out_ref.at[pl.ds(w * CH, CH)])


@functools.cache
def _gather_call():
    return pl.kernel(
        _gather_body,
        out_type=jax.ShapeDtypeStruct((ROWS // 128, 128, 8), jnp.float32),
        mesh=plsc.VectorSubcoreMesh(core_axis_name="c", subcore_axis_name="s"),
        compiler_params=pltpu.CompilerParams(use_tc_tiling_on_sc=False),
        scratch_types=[
            pltpu.VMEM((CH, 128), jnp.int32),
            pltpu.VMEM((CH, 128, 8), jnp.float32),
            pltpu.SemaphoreType.DMA,
        ],
    )


def _sub_body(rows_ref, cent_ref, out_ref):
    rows = rows_ref[...]
    cent = cent_ref[...]
    r3 = jnp.reshape(rows, (rows.shape[0], K, 8))
    out_ref[...] = jnp.reshape(r3 - cent[:, None, :], rows.shape)


SB = 512


def _sub_call(rows, cent):
    return pl.pallas_call(
        _sub_body,
        grid=(B * G // SB,),
        in_specs=[
            pl.BlockSpec((SB, K * 8), lambda i: (i, 0)),
            pl.BlockSpec((SB, 8), lambda i: (i, 0)),
        ],
        out_specs=pl.BlockSpec((SB, K * 8), lambda i: (i, 0)),
        out_shape=jax.ShapeDtypeStruct((B * G, K * 8), jnp.float32),
    )(rows, cent)


def kernel(xyz):
    x = xyz[:, :, 0]
    y = xyz[:, :, 1]
    z = xyz[:, :, 2]

    fidx, cx, cy, cz = pl.pallas_call(
        _fps_body,
        out_shape=(
            jax.ShapeDtypeStruct((B, G), jnp.int32),
            jax.ShapeDtypeStruct((B, G), jnp.float32),
            jax.ShapeDtypeStruct((B, G), jnp.float32),
            jax.ShapeDtypeStruct((B, G), jnp.float32),
        ),
    )(x, y, z)

    pts8 = jnp.pad(jnp.stack([x, y, z], axis=1), ((0, 0), (0, 5), (0, 0)))
    cent8 = jnp.pad(jnp.stack([cx, cy, cz], axis=-1), ((0, 0), (0, 0), (0, 5)))

    idx = pl.pallas_call(
        _knn_body,
        grid=(B, G // GB),
        in_specs=[
            pl.BlockSpec((1, 8, N), lambda b, g: (b, 0, 0)),
            pl.BlockSpec((1, 8, N), lambda b, g: (b, 0, 0)),
            pl.BlockSpec((1, GB, 8), lambda b, g: (b, g, 0)),
            pl.BlockSpec((1, GB, 8), lambda b, g: (b, g, 0)),
        ],
        out_specs=pl.BlockSpec((1, GB, K), lambda b, g: (b, g, 0)),
        out_shape=jax.ShapeDtypeStruct((B, G, K), jnp.int32),
        scratch_shapes=[pltpu.VMEM((GB, N), jnp.float32)],
    )(pts8, pts8.astype(jnp.bfloat16), cent8, cent8.astype(jnp.bfloat16))

    center = jnp.stack([cx, cy, cz], axis=-1)
    pts_pad = jnp.pad(xyz.reshape(B * N, 3), ((0, 0), (0, 5)))
    cent_pad = jnp.pad(center.reshape(B * G, 3), ((0, 0), (0, 5)))
    flat_idx = idx.reshape(ROWS // 128, 128)

    out = _gather_call()(pts_pad, flat_idx)
    centered = _sub_call(out.reshape(B * G, K * 8), cent_pad)
    neighborhood = centered.reshape(B, G, K, 8)[..., :3]
    return neighborhood, center

# --- scband reference (transcript-rebuilt; emitter-appended) ---
"""Pipeline reference for scband-group-17738214933230 (READ-ONLY COPY).

The authoritative reference and input builder live on the scoring server;
editing this copy changes nothing except your own understanding.
"""

import jax, jax.numpy as jnp
import numpy as np

NUM_GROUP = 512
GROUP_SIZE = 32


def fps_indices(xyz, npoint):
    # xyz: [B, N, 3] -> centroid indices [B, npoint] (farthest point sampling)
    B, N, _ = xyz.shape

    def body(i, state):
        centroids, distances, farthest = state
        centroids = centroids.at[:, i].set(farthest)
        centroid = jnp.take_along_axis(xyz, farthest[:, None, None].astype(jnp.int32), axis=1)  # [B,1,3]
        d = jnp.sum((xyz - centroid) ** 2, axis=-1)  # [B,N]
        distances = jnp.minimum(distances, d)
        farthest = jnp.argmax(distances, axis=-1).astype(jnp.int32)
        return (centroids, distances, farthest)

    init = (
        jnp.zeros((B, npoint), dtype=jnp.int32),
        jnp.full((B, N), 1e10, dtype=jnp.float32),
        jnp.zeros((B,), dtype=jnp.int32),
    )
    centroids, _, _ = jax.lax.fori_loop(0, npoint, body, init)
    return centroids


def knn_indices(k, xyz, center):
    # xyz: [B,N,3], center: [B,G,3] -> idx [B,G,k] of k nearest points per center
    sq_xyz = jnp.sum(xyz ** 2, axis=-1)       # [B,N]
    sq_c = jnp.sum(center ** 2, axis=-1)      # [B,G]
    inner = jnp.einsum('bgc,bnc->bgn', center, xyz)  # [B,G,N]
    dist = sq_c[:, :, None] - 2.0 * inner + sq_xyz[:, None, :]
    _, idx = jax.lax.top_k(-dist, k)
    return idx


def group_forward(xyz):
    B, N, C = xyz.shape
    pts = xyz[:, :, :3]
    fidx = fps_indices(jax.lax.stop_gradient(pts), NUM_GROUP)  # [B,G]
    center = jnp.take_along_axis(pts, fidx[:, :, None].astype(jnp.int32), axis=1)  # [B,G,3]
    idx = knn_indices(GROUP_SIZE, jax.lax.stop_gradient(pts), jax.lax.stop_gradient(center))  # [B,G,k]
    idx_base = jnp.arange(B, dtype=jnp.int32)[:, None, None] * N
    flat_idx = (idx + idx_base).reshape(-1)
    neighborhood = pts.reshape(B * N, 3)[flat_idx, :].reshape(B, NUM_GROUP, GROUP_SIZE, 3)
    neighborhood = neighborhood - center[:, :, None, :]
    return (neighborhood, center)


def setup_inputs(seed: int = 0) -> dict:
    key = jax.random.key(seed)
    xyz = jax.random.uniform(key, (8, 8192, 3), dtype=jnp.float32)
    return {"xyz": xyz}


def reference(xyz):
    return group_forward(xyz)

if __name__ == "__main__":
    import jax
    _d = setup_inputs()
    print(jax.jit(kernel)(*tuple(_d.values())))

</pallas_src>

<mosaic_0001>
#map = affine_map<(d0, d1) -> (0, 0)>
#map1 = affine_map<(d0, d1) -> (0, 0, 0)>
module attributes {stable_mosaic.version = 14 : i64} {
  func.func @_gather_body(%arg0: i32, %arg1: i32, %arg2: memref<65536x8xf32, #tpu.memory_space<hbm>>, %arg3: memref<1024x128xi32, #tpu.memory_space<hbm>>, %arg4: memref<1024x128x8xf32, #tpu.memory_space<hbm>>, %arg5: memref<32x128xi32, #tpu.memory_space<vmem>>, %arg6: memref<32x128x8xf32, #tpu.memory_space<vmem>>, %arg7: memref<!tpu.dma_semaphore, #tpu.memory_space<semaphore_mem>>) attributes {dimension_semantics = [#tpu.dimension_semantics<core_parallel>, #tpu.dimension_semantics<subcore_parallel>], iteration_bounds = array<i64: 2, 16>, scalar_prefetch = 0 : i64, scratch_operands = 3 : i64, tpu.core_type = #tpu.core_type<sc_vector_subcore>, window_params = [{transform_indices = #map}, {transform_indices = #map}, {transform_indices = #map1}]} {
    %mul3A = arith.constant 2 : i32
    %mul3A_0 = arith.muli %arg1, %mul3A : i32
    %add3A = arith.addi %mul3A_0, %arg0 : i32
    %mul3A_1 = arith.constant 32 : i32
    %mul3A_2 = arith.muli %add3A, %mul3A_1 : i32
    "tpu.region"() ({
      %run_scoped3A = tpu.sem_alloc : memref<!tpu.dma_semaphore, #tpu.memory_space<semaphore_mem>>
      %dma_start3A_771 = arith.constant 0 : i32
      %dma_start3A_772 = tpu.memref_slice %arg3[%mul3A_2, %dma_start3A_771] : memref<1024x128xi32, #tpu.memory_space<hbm>> -> memref<32x128xi32, #tpu.memory_space<hbm>>
      %dma_start3A_773 = arith.constant 0 : i32
      %dma_start3A_774 = tpu.memref_slice %arg3[%mul3A_2, %dma_start3A_773] : memref<1024x128xi32, #tpu.memory_space<hbm>> -> memref<32x128xi32, #tpu.memory_space<hbm>>
      tpu.enqueue_dma source(%dma_start3A_774 : memref<32x128xi32, #tpu.memory_space<hbm>>) target(%arg5 : memref<32x128xi32, #tpu.memory_space<vmem>>) target_semaphore(%run_scoped3A : memref<!tpu.dma_semaphore, #tpu.memory_space<semaphore_mem>>)
      %dma_wait3A_775 = arith.constant 0 : i32
      %dma_wait3A_776 = tpu.memref_slice %arg3[%mul3A_2, %dma_wait3A_775] : memref<1024x128xi32, #tpu.memory_space<hbm>> -> memref<32x128xi32, #tpu.memory_space<hbm>>
      %dma_wait3A_777 = arith.constant 0 : i32
      %dma_wait3A_778 = tpu.memref_slice %arg3[%mul3A_2, %dma_wait3A_777] : memref<1024x128xi32, #tpu.memory_space<hbm>> -> memref<32x128xi32, #tpu.memory_space<hbm>>
      tpu.wait_dma2 semaphore(%run_scoped3A : memref<!tpu.dma_semaphore, #tpu.memory_space<semaphore_mem>>) src(%dma_wait3A_778 : memref<32x128xi32, #tpu.memory_space<hbm>>) dst(%arg5 : memref<32x128xi32, #tpu.memory_space<vmem>>)
      tpu.yield
    }) : () -> ()
    %dma_start3A = arith.constant 0 : i32
    %dma_start3A_3 = arith.constant 0 : i32
    %dma_start3A_4 = arith.constant 0 : i32
    %dma_start3A_5 = arith.constant 0 : i32
    %dma_start3A_6 = tpu.memref_slice %arg6[%dma_start3A_3, %dma_start3A_4, %dma_start3A_5] : memref<32x128x8xf32, #tpu.memory_space<vmem>> -> memref<1x128x8xf32, #tpu.memory_space<vmem>>
    %dma_start3A_7 = tpu.memref_squeeze %dma_start3A_6 : memref<1x128x8xf32, #tpu.memory_space<vmem>> -> memref<128x8xf32, #tpu.memory_space<vmem>>
    %dma_start3A_8 = arith.constant 0 : i32
    %dma_start3A_9 = tpu.memref_slice %arg5[%dma_start3A, %dma_start3A_8] : memref<32x128xi32, #tpu.memory_space<vmem>> -> memref<1x128xi32, #tpu.memory_space<vmem>>
    %dma_start3A_10 = tpu.memref_squeeze %dma_start3A_9 : memref<1x128xi32, #tpu.memory_space<vmem>> -> memref<128xi32, #tpu.memory_space<vmem>>
    %dma_start3A_11 = arith.constant 0 : i32
    %dma_start3A_12 = arith.constant 0 : i32
    %dma_start3A_13 = tpu.memref_slice %arg2[%dma_start3A_11, %dma_start3A_12] : memref<65536x8xf32, #tpu.memory_space<hbm>> -> memref<65536x8xf32, #tpu.memory_space<hbm>>
    tpu.enqueue_indirect_dma source(%dma_start3A_13 : memref<65536x8xf32, #tpu.memory_space<hbm>>) target(%dma_start3A_7 : memref<128x8xf32, #tpu.memory_space<vmem>>) offsets(%dma_start3A_10 : memref<128xi32, #tpu.memory_space<vmem>>) semaphore(%arg7 : memref<!tpu.dma_semaphore, #tpu.memory_space<semaphore_mem>>)
    %dma_start3A_14 = arith.constant 1 : i32
    %dma_start3A_15 = arith.constant 1 : i32
    %dma_start3A_16 = arith.constant 0 : i32
    %dma_start3A_17 = arith.constant 0 : i32
    %dma_start3A_18 = tpu.memref_slice %arg6[%dma_start3A_15, %dma_start3A_16, %dma_start3A_17] : memref<32x128x8xf32, #tpu.memory_space<vmem>> -> memref<1x128x8xf32, #tpu.memory_space<vmem>>
    %dma_start3A_19 = tpu.memref_squeeze %dma_start3A_18 : memref<1x128x8xf32, #tpu.memory_space<vmem>> -> memref<128x8xf32, #tpu.memory_space<vmem>>
    %dma_start3A_20 = arith.constant 0 : i32
    %dma_start3A_21 = tpu.memref_slice %arg5[%dma_start3A_14, %dma_start3A_20] : memref<32x128xi32, #tpu.memory_space<vmem>> -> memref<1x128xi32, #tpu.memory_space<vmem>>
    %dma_start3A_22 = tpu.memref_squeeze %dma_start3A_21 : memref<1x128xi32, #tpu.memory_space<vmem>> -> memref<128xi32, #tpu.memory_space<vmem>>
    %dma_start3A_23 = arith.constant 0 : i32
    %dma_start3A_24 = arith.constant 0 : i32
    %dma_start3A_25 = tpu.memref_slice %arg2[%dma_start3A_23, %dma_start3A_24] : memref<65536x8xf32, #tpu.memory_space<hbm>> -> memref<65536x8xf32, #tpu.memory_space<hbm>>
    tpu.enqueue_indirect_dma source(%dma_start3A_25 : memref<65536x8xf32, #tpu.memory_space<hbm>>) target(%dma_start3A_19 : memref<128x8xf32, #tpu.memory_space<vmem>>) offsets(%dma_start3A_22 : memref<128xi32, #tpu.memory_space<vmem>>) semaphore(%arg7 : memref<!tpu.dma_semaphore, #tpu.memory_space<semaphore_mem>>)
    %dma_start3A_26 = arith.constant 2 : i32
    %dma_start3A_27 = arith.constant 2 : i32
    %dma_start3A_28 = arith.constant 0 : i32
    %dma_start3A_29 = arith.constant 0 : i32
    %dma_start3A_30 = tpu.memref_slice %arg6[%dma_start3A_27, %dma_start3A_28, %dma_start3A_29] : memref<32x128x8xf32, #tpu.memory_space<vmem>> -> memref<1x128x8xf32, #tpu.memory_space<vmem>>
    %dma_start3A_31 = tpu.memref_squeeze %dma_start3A_30 : memref<1x128x8xf32, #tpu.memory_space<vmem>> -> memref<128x8xf32, #tpu.memory_space<vmem>>
    %dma_start3A_32 = arith.constant 0 : i32
    %dma_start3A_33 = tpu.memref_slice %arg5[%dma_start3A_26, %dma_start3A_32] : memref<32x128xi32, #tpu.memory_space<vmem>> -> memref<1x128xi32, #tpu.memory_space<vmem>>
    %dma_start3A_34 = tpu.memref_squeeze %dma_start3A_33 : memref<1x128xi32, #tpu.memory_space<vmem>> -> memref<128xi32, #tpu.memory_space<vmem>>
    %dma_start3A_35 = arith.constant 0 : i32
    %dma_start3A_36 = arith.constant 0 : i32
    %dma_start3A_37 = tpu.memref_slice %arg2[%dma_start3A_35, %dma_start3A_36] : memref<65536x8xf32, #tpu.memory_space<hbm>> -> memref<65536x8xf32, #tpu.memory_space<hbm>>
    tpu.enqueue_indirect_dma source(%dma_start3A_37 : memref<65536x8xf32, #tpu.memory_space<hbm>>) target(%dma_start3A_31 : memref<128x8xf32, #tpu.memory_space<vmem>>) offsets(%dma_start3A_34 : memref<128xi32, #tpu.memory_space<vmem>>) semaphore(%arg7 : memref<!tpu.dma_semaphore, #tpu.memory_space<semaphore_mem>>)
    %dma_start3A_38 = arith.constant 3 : i32
    %dma_start3A_39 = arith.constant 3 : i32
    %dma_start3A_40 = arith.constant 0 : i32
    %dma_start3A_41 = arith.constant 0 : i32
    %dma_start3A_42 = tpu.memref_slice %arg6[%dma_start3A_39, %dma_start3A_40, %dma_start3A_41] : memref<32x128x8xf32, #tpu.memory_space<vmem>> -> memref<1x128x8xf32, #tpu.memory_space<vmem>>
    %dma_start3A_43 = tpu.memref_squeeze %dma_start3A_42 : memref<1x128x8xf32, #tpu.memory_space<vmem>> -> memref<128x8xf32, #tpu.memory_space<vmem>>
    %dma_start3A_44 = arith.constant 0 : i32
    %dma_start3A_45 = tpu.memref_slice %arg5[%dma_start3A_38, %dma_start3A_44] : memref<32x128xi32, #tpu.memory_space<vmem>> -> memref<1x128xi32, #tpu.memory_space<vmem>>
    %dma_start3A_46 = tpu.memref_squeeze %dma_start3A_45 : memref<1x128xi32, #tpu.memory_space<vmem>> -> memref<128xi32, #tpu.memory_space<vmem>>
    %dma_start3A_47 = arith.constant 0 : i32
    %dma_start3A_48 = arith.constant 0 : i32
    %dma_start3A_49 = tpu.memref_slice %arg2[%dma_start3A_47, %dma_start3A_48] : memref<65536x8xf32, #tpu.memory_space<hbm>> -> memref<65536x8xf32, #tpu.memory_space<hbm>>
    tpu.enqueue_indirect_dma source(%dma_start3A_49 : memref<65536x8xf32, #tpu.memory_space<hbm>>) target(%dma_start3A_43 : memref<128x8xf32, #tpu.memory_space<vmem>>) offsets(%dma_start3A_46 : memref<128xi32, #tpu.memory_space<vmem>>) semaphore(%arg7 : memref<!tpu.dma_semaphore, #tpu.memory_space<semaphore_mem>>)
    %dma_start3A_50 = arith.constant 4 : i32
    %dma_start3A_51 = arith.constant 4 : i32
    %dma_start3A_52 = arith.constant 0 : i32
    %dma_start3A_53 = arith.constant 0 : i32
    %dma_start3A_54 = tpu.memref_slice %arg6[%dma_start3A_51, %dma_start3A_52, %dma_start3A_53] : memref<32x128x8xf32, #tpu.memory_space<vmem>> -> memref<1x128x8xf32, #tpu.memory_space<vmem>>
    %dma_start3A_55 = tpu.memref_squeeze %dma_start3A_54 : memref<1x128x8xf32, #tpu.memory_space<vmem>> -> memref<128x8xf32, #tpu.memory_space<vmem>>
    %dma_start3A_56 = arith.constant 0 : i32
    %dma_start3A_57 = tpu.memref_slice %arg5[%dma_start3A_50, %dma_start3A_56] : memref<32x128xi32, #tpu.memory_space<vmem>> -> memref<1x128xi32, #tpu.memory_space<vmem>>
    %dma_start3A_58 = tpu.memref_squeeze %dma_start3A_57 : memref<1x128xi32, #tpu.memory_space<vmem>> -> memref<128xi32, #tpu.memory_space<vmem>>
    %dma_start3A_59 = arith.constant 0 : i32
    %dma_start3A_60 = arith.constant 0 : i32
    %dma_start3A_61 = tpu.memref_slice %arg2[%dma_start3A_59, %dma_start3A_60] : memref<65536x8xf32, #tpu.memory_space<hbm>> -> memref<65536x8xf32, #tpu.memory_space<hbm>>
    tpu.enqueue_indirect_dma source(%dma_start3A_61 : memref<65536x8xf32, #tpu.memory_space<hbm>>) target(%dma_start3A_55 : memref<128x8xf32, #tpu.memory_space<vmem>>) offsets(%dma_start3A_58 : memref<128xi32, #tpu.memory_space<vmem>>) semaphore(%arg7 : memref<!tpu.dma_semaphore, #tpu.memory_space<semaphore_mem>>)
    %dma_start3A_62 = arith.constant 5 : i32
    %dma_start3A_63 = arith.constant 5 : i32
    %dma_start3A_64 = arith.constant 0 : i32
    %dma_start3A_65 = arith.constant 0 : i32
    %dma_start3A_66 = tpu.memref_slice %arg6[%dma_start3A_63, %dma_start3A_64, %dma_start3A_65] : memref<32x128x8xf32, #tpu.memory_space<vmem>> -> memref<1x128x8xf32, #tpu.memory_space<vmem>>
    %dma_start3A_67 = tpu.memref_squeeze %dma_start3A_66 : memref<1x128x8xf32, #tpu.memory_space<vmem>> -> memref<128x8xf32, #tpu.memory_space<vmem>>
    %dma_start3A_68 = arith.constant 0 : i32
    %dma_start3A_69 = tpu.memref_slice %arg5[%dma_start3A_62, %dma_start3A_68] : memref<32x128xi32, #tpu.memory_space<vmem>> -> memref<1x128xi32, #tpu.memory_space<vmem>>
    %dma_start3A_70 = tpu.memref_squeeze %dma_start3A_69 : memref<1x128xi32, #tpu.memory_space<vmem>> -> memref<128xi32, #tpu.memory_space<vmem>>
    %dma_start3A_71 = arith.constant 0 : i32
    %dma_start3A_72 = arith.constant 0 : i32
    %dma_start3A_73 = tpu.memref_slice %arg2[%dma_start3A_71, %dma_start3A_72] : memref<65536x8xf32, #tpu.memory_space<hbm>> -> memref<65536x8xf32, #tpu.memory_space<hbm>>
    tpu.enqueue_indirect_dma source(%dma_start3A_73 : memref<65536x8xf32, #tpu.memory_space<hbm>>) target(%dma_start3A_67 : memref<128x8xf32, #tpu.memory_space<vmem>>) offsets(%dma_start3A_70 : memref<128xi32, #tpu.memory_space<vmem>>) semaphore(%arg7 : memref<!tpu.dma_semaphore, #tpu.memory_space<semaphore_mem>>)
    %dma_start3A_74 = arith.constant 6 : i32
    %dma_start3A_75 = arith.constant 6 : i32
    %dma_start3A_76 = arith.constant 0 : i32
    %dma_start3A_77 = arith.constant 0 : i32
    %dma_start3A_78 = tpu.memref_slice %arg6[%dma_start3A_75, %dma_start3A_76, %dma_start3A_77] : memref<32x128x8xf32, #tpu.memory_space<vmem>> -> memref<1x128x8xf32, #tpu.memory_space<vmem>>
    %dma_start3A_79 = tpu.memref_squeeze %dma_start3A_78 : memref<1x128x8xf32, #tpu.memory_space<vmem>> -> memref<128x8xf32, #tpu.memory_space<vmem>>
    %dma_start3A_80 = arith.constant 0 : i32
    %dma_start3A_81 = tpu.memref_slice %arg5[%dma_start3A_74, %dma_start3A_80] : memref<32x128xi32, #tpu.memory_space<vmem>> -> memref<1x128xi32, #tpu.memory_space<vmem>>
    %dma_start3A_82 = tpu.memref_squeeze %dma_start3A_81 : memref<1x128xi32, #tpu.memory_space<vmem>> -> memref<128xi32, #tpu.memory_space<vmem>>
    %dma_start3A_83 = arith.constant 0 : i32
    %dma_start3A_84 = arith.constant 0 : i32
    %dma_start3A_85 = tpu.memref_slice %arg2[%dma_start3A_83, %dma_start3A_84] : memref<65536x8xf32, #tpu.memory_space<hbm>> -> memref<65536x8xf32, #tpu.memory_space<hbm>>
    tpu.enqueue_indirect_dma source(%dma_start3A_85 : memref<65536x8xf32, #tpu.memory_space<hbm>>) target(%dma_start3A_79 : memref<128x8xf32, #tpu.memory_space<vmem>>) offsets(%dma_start3A_82 : memref<128xi32, #tpu.memory_space<vmem>>) semaphore(%arg7 : memref<!tpu.dma_semaphore, #tpu.memory_space<semaphore_mem>>)
    %dma_start3A_86 = arith.constant 7 : i32
    %dma_start3A_87 = arith.constant 7 : i32
    %dma_start3A_88 = arith.constant 0 : i32
    %dma_start3A_89 = arith.constant 0 : i32
    %dma_start3A_90 = tpu.memref_slice %arg6[%dma_start3A_87, %dma_start3A_88, %dma_start3A_89] : memref<32x128x8xf32, #tpu.memory_space<vmem>> -> memref<1x128x8xf32, #tpu.memory_space<vmem>>
    %dma_start3A_91 = tpu.memref_squeeze %dma_start3A_90 : memref<1x128x8xf32, #tpu.memory_space<vmem>> -> memref<128x8xf32, #tpu.memory_space<vmem>>
    %dma_start3A_92 = arith.constant 0 : i32
    %dma_start3A_93 = tpu.memref_slice %arg5[%dma_start3A_86, %dma_start3A_92] : memref<32x128xi32, #tpu.memory_space<vmem>> -> memref<1x128xi32, #tpu.memory_space<vmem>>
    %dma_start3A_94 = tpu.memref_squeeze %dma_start3A_93 : memref<1x128xi32, #tpu.memory_space<vmem>> -> memref<128xi32, #tpu.memory_space<vmem>>
    %dma_start3A_95 = arith.constant 0 : i32
    %dma_start3A_96 = arith.constant 0 : i32
    %dma_start3A_97 = tpu.memref_slice %arg2[%dma_start3A_95, %dma_start3A_96] : memref<65536x8xf32, #tpu.memory_space<hbm>> -> memref<65536x8xf32, #tpu.memory_space<hbm>>
    tpu.enqueue_indirect_dma source(%dma_start3A_97 : memref<65536x8xf32, #tpu.memory_space<hbm>>) target(%dma_start3A_91 : memref<128x8xf32, #tpu.memory_space<vmem>>) offsets(%dma_start3A_94 : memref<128xi32, #tpu.memory_space<vmem>>) semaphore(%arg7 : memref<!tpu.dma_semaphore, #tpu.memory_space<semaphore_mem>>)
    %dma_start3A_98 = arith.constant 8 : i32
    %dma_start3A_99 = arith.constant 8 : i32
    %dma_start3A_100 = arith.constant 0 : i32
    %dma_start3A_101 = arith.constant 0 : i32
    %dma_start3A_102 = tpu.memref_slice %arg6[%dma_start3A_99, %dma_start3A_100, %dma_start3A_101] : memref<32x128x8xf32, #tpu.memory_space<vmem>> -> memref<1x128x8xf32, #tpu.memory_space<vmem>>
    %dma_start3A_103 = tpu.memref_squeeze %dma_start3A_102 : memref<1x128x8xf32, #tpu.memory_space<vmem>> -> memref<128x8xf32, #tpu.memory_space<vmem>>
    %dma_start3A_104 = arith.constant 0 : i32
    %dma_start3A_105 = tpu.memref_slice %arg5[%dma_start3A_98, %dma_start3A_104] : memref<32x128xi32, #tpu.memory_space<vmem>> -> memref<1x128xi32, #tpu.memory_space<vmem>>
    %dma_start3A_106 = tpu.memref_squeeze %dma_start3A_105 : memref<1x128xi32, #tpu.memory_space<vmem>> -> memref<128xi32, #tpu.memory_space<vmem>>
    %dma_start3A_107 = arith.constant 0 : i32
    %dma_start3A_108 = arith.constant 0 : i32
    %dma_start3A_109 = tpu.memref_slice %arg2[%dma_start3A_107, %dma_start3A_108] : memref<65536x8xf32, #tpu.memory_space<hbm>> -> memref<65536x8xf32, #tpu.memory_space<hbm>>
    tpu.enqueue_indirect_dma source(%dma_start3A_109 : memref<65536x8xf32, #tpu.memory_space<hbm>>) target(%dma_start3A_103 : memref<128x8xf32, #tpu.memory_space<vmem>>) offsets(%dma_start3A_106 : memref<128xi32, #tpu.memory_space<vmem>>) semaphore(%arg7 : memref<!tpu.dma_semaphore, #tpu.memory_space<semaphore_mem>>)
    %dma_start3A_110 = arith.constant 9 : i32
    %dma_start3A_111 = arith.constant 9 : i32
    %dma_start3A_112 = arith.constant 0 : i32
    %dma_start3A_113 = arith.constant 0 : i32
    %dma_start3A_114 = tpu.memref_slice %arg6[%dma_start3A_111, %dma_start3A_112, %dma_start3A_113] : memref<32x128x8xf32, #tpu.memory_space<vmem>> -> memref<1x128x8xf32, #tpu.memory_space<vmem>>
    %dma_start3A_115 = tpu.memref_squeeze %dma_start3A_114 : memref<1x128x8xf32, #tpu.memory_space<vmem>> -> memref<128x8xf32, #tpu.memory_space<vmem>>
    %dma_start3A_116 = arith.constant 0 : i32
    %dma_start3A_117 = tpu.memref_slice %arg5[%dma_start3A_110, %dma_start3A_116] : memref<32x128xi32, #tpu.memory_space<vmem>> -> memref<1x128xi32, #tpu.memory_space<vmem>>
    %dma_start3A_118 = tpu.memref_squeeze %dma_start3A_117 : memref<1x128xi32, #tpu.memory_space<vmem>> -> memref<128xi32, #tpu.memory_space<vmem>>
    %dma_start3A_119 = arith.constant 0 : i32
    %dma_start3A_120 = arith.constant 0 : i32
    %dma_start3A_121 = tpu.memref_slice %arg2[%dma_start3A_119, %dma_start3A_120] : memref<65536x8xf32, #tpu.memory_space<hbm>> -> memref<65536x8xf32, #tpu.memory_space<hbm>>
    tpu.enqueue_indirect_dma source(%dma_start3A_121 : memref<65536x8xf32, #tpu.memory_space<hbm>>) target(%dma_start3A_115 : memref<128x8xf32, #tpu.memory_space<vmem>>) offsets(%dma_start3A_118 : memref<128xi32, #tpu.memory_space<vmem>>) semaphore(%arg7 : memref<!tpu.dma_semaphore, #tpu.memory_space<semaphore_mem>>)
    %dma_start3A_122 = arith.constant 10 : i32
    %dma_start3A_123 = arith.constant 10 : i32
    %dma_start3A_124 = arith.constant 0 : i32
    %dma_start3A_125 = arith.constant 0 : i32
    %dma_start3A_126 = tpu.memref_slice %arg6[%dma_start3A_123, %dma_start3A_124, %dma_start3A_125] : memref<32x128x8xf32, #tpu.memory_space<vmem>> -> memref<1x128x8xf32, #tpu.memory_space<vmem>>
    %dma_start3A_127 = tpu.memref_squeeze %dma_start3A_126 : memref<1x128x8xf32, #tpu.memory_space<vmem>> -> memref<128x8xf32, #tpu.memory_space<vmem>>
    %dma_start3A_128 = arith.constant 0 : i32
    %dma_start3A_129 = tpu.memref_slice %arg5[%dma_start3A_122, %dma_start3A_128] : memref<32x128xi32, #tpu.memory_space<vmem>> -> memref<1x128xi32, #tpu.memory_space<vmem>>
    %dma_start3A_130 = tpu.memref_squeeze %dma_start3A_129 : memref<1x128xi32, #tpu.memory_space<vmem>> -> memref<128xi32, #tpu.memory_space<vmem>>
    %dma_start3A_131 = arith.constant 0 : i32
    %dma_start3A_132 = arith.constant 0 : i32
    %dma_start3A_133 = tpu.memref_slice %arg2[%dma_start3A_131, %dma_start3A_132] : memref<65536x8xf32, #tpu.memory_space<hbm>> -> memref<65536x8xf32, #tpu.memory_space<hbm>>
    tpu.enqueue_indirect_dma source(%dma_start3A_133 : memref<65536x8xf32, #tpu.memory_space<hbm>>) target(%dma_start3A_127 : memref<128x8xf32, #tpu.memory_space<vmem>>) offsets(%dma_start3A_130 : memref<128xi32, #tpu.memory_space<vmem>>) semaphore(%arg7 : memref<!tpu.dma_semaphore, #tpu.memory_space<semaphore_mem>>)
    %dma_start3A_134 = arith.constant 11 : i32
    %dma_start3A_135 = arith.constant 11 : i32
    %dma_start3A_136 = arith.constant 0 : i32
    %dma_start3A_137 = arith.constant 0 : i32
    %dma_start3A_138 = tpu.memref_slice %arg6[%dma_start3A_135, %dma_start3A_136, %dma_start3A_137] : memref<32x128x8xf32, #tpu.memory_space<vmem>> -> memref<1x128x8xf32, #tpu.memory_space<vmem>>
    %dma_start3A_139 = tpu.memref_squeeze %dma_start3A_138 : memref<1x128x8xf32, #tpu.memory_space<vmem>> -> memref<128x8xf32, #tpu.memory_space<vmem>>
    %dma_start3A_140 = arith.constant 0 : i32
    %dma_start3A_141 = tpu.memref_slice %arg5[%dma_start3A_134, %dma_start3A_140] : memref<32x128xi32, #tpu.memory_space<vmem>> -> memref<1x128xi32, #tpu.memory_space<vmem>>
    %dma_start3A_142 = tpu.memref_squeeze %dma_start3A_141 : memref<1x128xi32, #tpu.memory_space<vmem>> -> memref<128xi32, #tpu.memory_space<vmem>>
    %dma_start3A_143 = arith.constant 0 : i32
    %dma_start3A_144 = arith.constant 0 : i32
    %dma_start3A_145 = tpu.memref_slice %arg2[%dma_start3A_143, %dma_start3A_144] : memref<65536x8xf32, #tpu.memory_space<hbm>> -> memref<65536x8xf32, #tpu.memory_space<hbm>>
    tpu.enqueue_indirect_dma source(%dma_start3A_145 : memref<65536x8xf32, #tpu.memory_space<hbm>>) target(%dma_start3A_139 : memref<128x8xf32, #tpu.memory_space<vmem>>) offsets(%dma_start3A_142 : memref<128xi32, #tpu.memory_space<vmem>>) semaphore(%arg7 : memref<!tpu.dma_semaphore, #tpu.memory_space<semaphore_mem>>)
    %dma_start3A_146 = arith.constant 12 : i32
    %dma_start3A_147 = arith.constant 12 : i32
    %dma_start3A_148 = arith.constant 0 : i32
    %dma_start3A_149 = arith.constant 0 : i32
    %dma_start3A_150 = tpu.memref_slice %arg6[%dma_start3A_147, %dma_start3A_148, %dma_start3A_149] : memref<32x128x8xf32, #tpu.memory_space<vmem>> -> memref<1x128x8xf32, #tpu.memory_space<vmem>>
    %dma_start3A_151 = tpu.memref_squeeze %dma_start3A_150 : memref<1x128x8xf32, #tpu.memory_space<vmem>> -> memref<128x8xf32, #tpu.memory_space<vmem>>
    %dma_start3A_152 = arith.constant 0 : i32
    %dma_start3A_153 = tpu.memref_slice %arg5[%dma_start3A_146, %dma_start3A_152] : memref<32x128xi32, #tpu.memory_space<vmem>> -> memref<1x128xi32, #tpu.memory_space<vmem>>
    %dma_start3A_154 = tpu.memref_squeeze %dma_start3A_153 : memref<1x128xi32, #tpu.memory_space<vmem>> -> memref<128xi32, #tpu.memory_space<vmem>>
    %dma_start3A_155 = arith.constant 0 : i32
    %dma_start3A_156 = arith.constant 0 : i32
    %dma_start3A_157 = tpu.memref_slice %arg2[%dma_start3A_155, %dma_start3A_156] : memref<65536x8xf32, #tpu.memory_space<hbm>> -> memref<65536x8xf32, #tpu.memory_space<hbm>>
    tpu.enqueue_indirect_dma source(%dma_start3A_157 : memref<65536x8xf32, #tpu.memory_space<hbm>>) target(%dma_start3A_151 : memref<128x8xf32, #tpu.memory_space<vmem>>) offsets(%dma_start3A_154 : memref<128xi32, #tpu.memory_space<vmem>>) semaphore(%arg7 : memref<!tpu.dma_semaphore, #tpu.memory_space<semaphore_mem>>)
    %dma_start3A_158 = arith.constant 13 : i32
    %dma_start3A_159 = arith.constant 13 : i32
    %dma_start3A_160 = arith.constant 0 : i32
    %dma_start3A_161 = arith.constant 0 : i32
    %dma_start3A_162 = tpu.memref_slice %arg6[%dma_start3A_159, %dma_start3A_160, %dma_start3A_161] : memref<32x128x8xf32, #tpu.memory_space<vmem>> -> memref<1x128x8xf32, #tpu.memory_space<vmem>>
    %dma_start3A_163 = tpu.memref_squeeze %dma_start3A_162 : memref<1x128x8xf32, #tpu.memory_space<vmem>> -> memref<128x8xf32, #tpu.memory_space<vmem>>
    %dma_start3A_164 = arith.constant 0 : i32
    %dma_start3A_165 = tpu.memref_slice %arg5[%dma_start3A_158, %dma_start3A_164] : memref<32x128xi32, #tpu.memory_space<vmem>> -> memref<1x128xi32, #tpu.memory_space<vmem>>
    %dma_start3A_166 = tpu.memref_squeeze %dma_start3A_165 : memref<1x128xi32, #tpu.memory_space<vmem>> -> memref<128xi32, #tpu.memory_space<vmem>>
    %dma_start3A_167 = arith.constant 0 : i32
    %dma_start3A_168 = arith.constant 0 : i32
    %dma_start3A_169 = tpu.memref_slice %arg2[%dma_start3A_167, %dma_start3A_168] : memref<65536x8xf32, #tpu.memory_space<hbm>> -> memref<65536x8xf32, #tpu.memory_space<hbm>>
    tpu.enqueue_indirect_dma source(%dma_start3A_169 : memref<65536x8xf32, #tpu.memory_space<hbm>>) target(%dma_start3A_163 : memref<128x8xf32, #tpu.memory_space<vmem>>) offsets(%dma_start3A_166 : memref<128xi32, #tpu.memory_space<vmem>>) semaphore(%arg7 : memref<!tpu.dma_semaphore, #tpu.memory_space<semaphore_mem>>)
    %dma_start3A_170 = arith.constant 14 : i32
    %dma_start3A_171 = arith.constant 14 : i32
    %dma_start3A_172 = arith.constant 0 : i32
    %dma_start3A_173 = arith.constant 0 : i32
    %dma_start3A_174 = tpu.memref_slice %arg6[%dma_start3A_171, %dma_start3A_172, %dma_start3A_173] : memref<32x128x8xf32, #tpu.memory_space<vmem>> -> memref<1x128x8xf32, #tpu.memory_space<vmem>>
    %dma_start3A_175 = tpu.memref_squeeze %dma_start3A_174 : memref<1x128x8xf32, #tpu.memory_space<vmem>> -> memref<128x8xf32, #tpu.memory_space<vmem>>
    %dma_start3A_176 = arith.constant 0 : i32
    %dma_start3A_177 = tpu.memref_slice %arg5[%dma_start3A_170, %dma_start3A_176] : memref<32x128xi32, #tpu.memory_space<vmem>> -> memref<1x128xi32, #tpu.memory_space<vmem>>
    %dma_start3A_178 = tpu.memref_squeeze %dma_start3A_177 : memref<1x128xi32, #tpu.memory_space<vmem>> -> memref<128xi32, #tpu.memory_space<vmem>>
    %dma_start3A_179 = arith.constant 0 : i32
    %dma_start3A_180 = arith.constant 0 : i32
    %dma_start3A_181 = tpu.memref_slice %arg2[%dma_start3A_179, %dma_start3A_180] : memref<65536x8xf32, #tpu.memory_space<hbm>> -> memref<65536x8xf32, #tpu.memory_space<hbm>>
    tpu.enqueue_indirect_dma source(%dma_start3A_181 : memref<65536x8xf32, #tpu.memory_space<hbm>>) target(%dma_start3A_175 : memref<128x8xf32, #tpu.memory_space<vmem>>) offsets(%dma_start3A_178 : memref<128xi32, #tpu.memory_space<vmem>>) semaphore(%arg7 : memref<!tpu.dma_semaphore, #tpu.memory_space<semaphore_mem>>)
    %dma_start3A_182 = arith.constant 15 : i32
    %dma_start3A_183 = arith.constant 15 : i32
    %dma_start3A_184 = arith.constant 0 : i32
    %dma_start3A_185 = arith.constant 0 : i32
    %dma_start3A_186 = tpu.memref_slice %arg6[%dma_start3A_183, %dma_start3A_184, %dma_start3A_185] : memref<32x128x8xf32, #tpu.memory_space<vmem>> -> memref<1x128x8xf32, #tpu.memory_space<vmem>>
    %dma_start3A_187 = tpu.memref_squeeze %dma_start3A_186 : memref<1x128x8xf32, #tpu.memory_space<vmem>> -> memref<128x8xf32, #tpu.memory_space<vmem>>
    %dma_start3A_188 = arith.constant 0 : i32
    %dma_start3A_189 = tpu.memref_slice %arg5[%dma_start3A_182, %dma_start3A_188] : memref<32x128xi32, #tpu.memory_space<vmem>> -> memref<1x128xi32, #tpu.memory_space<vmem>>
    %dma_start3A_190 = tpu.memref_squeeze %dma_start3A_189 : memref<1x128xi32, #tpu.memory_space<vmem>> -> memref<128xi32, #tpu.memory_space<vmem>>
    %dma_start3A_191 = arith.constant 0 : i32
    %dma_start3A_192 = arith.constant 0 : i32
    %dma_start3A_193 = tpu.memref_slice %arg2[%dma_start3A_191, %dma_start3A_192] : memref<65536x8xf32, #tpu.memory_space<hbm>> -> memref<65536x8xf32, #tpu.memory_space<hbm>>
    tpu.enqueue_indirect_dma source(%dma_start3A_193 : memref<65536x8xf32, #tpu.memory_space<hbm>>) target(%dma_start3A_187 : memref<128x8xf32, #tpu.memory_space<vmem>>) offsets(%dma_start3A_190 : memref<128xi32, #tpu.memory_space<vmem>>) semaphore(%arg7 : memref<!tpu.dma_semaphore, #tpu.memory_space<semaphore_mem>>)
    %dma_start3A_194 = arith.constant 16 : i32
    %dma_start3A_195 = arith.constant 16 : i32
    %dma_start3A_196 = arith.constant 0 : i32
    %dma_start3A_197 = arith.constant 0 : i32
    %dma_start3A_198 = tpu.memref_slice %arg6[%dma_start3A_195, %dma_start3A_196, %dma_start3A_197] : memref<32x128x8xf32, #tpu.memory_space<vmem>> -> memref<1x128x8xf32, #tpu.memory_space<vmem>>
    %dma_start3A_199 = tpu.memref_squeeze %dma_start3A_198 : memref<1x128x8xf32, #tpu.memory_space<vmem>> -> memref<128x8xf32, #tpu.memory_space<vmem>>
    %dma_start3A_200 = arith.constant 0 : i32
    %dma_start3A_201 = tpu.memref_slice %arg5[%dma_start3A_194, %dma_start3A_200] : memref<32x128xi32, #tpu.memory_space<vmem>> -> memref<1x128xi32, #tpu.memory_space<vmem>>
    %dma_start3A_202 = tpu.memref_squeeze %dma_start3A_201 : memref<1x128xi32, #tpu.memory_space<vmem>> -> memref<128xi32, #tpu.memory_space<vmem>>
    %dma_start3A_203 = arith.constant 0 : i32
    %dma_start3A_204 = arith.constant 0 : i32
    %dma_start3A_205 = tpu.memref_slice %arg2[%dma_start3A_203, %dma_start3A_204] : memref<65536x8xf32, #tpu.memory_space<hbm>> -> memref<65536x8xf32, #tpu.memory_space<hbm>>
    tpu.enqueue_indirect_dma source(%dma_start3A_205 : memref<65536x8xf32, #tpu.memory_space<hbm>>) target(%dma_start3A_199 : memref<128x8xf32, #tpu.memory_space<vmem>>) offsets(%dma_start3A_202 : memref<128xi32, #tpu.memory_space<vmem>>) semaphore(%arg7 : memref<!tpu.dma_semaphore, #tpu.memory_space<semaphore_mem>>)
    %dma_start3A_206 = arith.constant 17 : i32
    %dma_start3A_207 = arith.constant 17 : i32
    %dma_start3A_208 = arith.constant 0 : i32
    %dma_start3A_209 = arith.constant 0 : i32
    %dma_start3A_210 = tpu.memref_slice %arg6[%dma_start3A_207, %dma_start3A_208, %dma_start3A_209] : memref<32x128x8xf32, #tpu.memory_space<vmem>> -> memref<1x128x8xf32, #tpu.memory_space<vmem>>
    %dma_start3A_211 = tpu.memref_squeeze %dma_start3A_210 : memref<1x128x8xf32, #tpu.memory_space<vmem>> -> memref<128x8xf32, #tpu.memory_space<vmem>>
    %dma_start3A_212 = arith.constant 0 : i32
    %dma_start3A_213 = tpu.memref_slice %arg5[%dma_start3A_206, %dma_start3A_212] : memref<32x128xi32, #tpu.memory_space<vmem>> -> memref<1x128xi32, #tpu.memory_space<vmem>>
    %dma_start3A_214 = tpu.memref_squeeze %dma_start3A_213 : memref<1x128xi32, #tpu.memory_space<vmem>> -> memref<128xi32, #tpu.memory_space<vmem>>
    %dma_start3A_215 = arith.constant 0 : i32
    %dma_start3A_216 = arith.constant 0 : i32
    %dma_start3A_217 = tpu.memref_slice %arg2[%dma_start3A_215, %dma_start3A_216] : memref<65536x8xf32, #tpu.memory_space<hbm>> -> memref<65536x8xf32, #tpu.memory_space<hbm>>
    tpu.enqueue_indirect_dma source(%dma_start3A_217 : memref<65536x8xf32, #tpu.memory_space<hbm>>) target(%dma_start3A_211 : memref<128x8xf32, #tpu.memory_space<vmem>>) offsets(%dma_start3A_214 : memref<128xi32, #tpu.memory_space<vmem>>) semaphore(%arg7 : memref<!tpu.dma_semaphore, #tpu.memory_space<semaphore_mem>>)
    %dma_start3A_218 = arith.constant 18 : i32
    %dma_start3A_219 = arith.constant 18 : i32
    %dma_start3A_220 = arith.constant 0 : i32
    %dma_start3A_221 = arith.constant 0 : i32
    %dma_start3A_222 = tpu.memref_slice %arg6[%dma_start3A_219, %dma_start3A_220, %dma_start3A_221] : memref<32x128x8xf32, #tpu.memory_space<vmem>> -> memref<1x128x8xf32, #tpu.memory_space<vmem>>
    %dma_start3A_223 = tpu.memref_squeeze %dma_start3A_222 : memref<1x128x8xf32, #tpu.memory_space<vmem>> -> memref<128x8xf32, #tpu.memory_space<vmem>>
    %dma_start3A_224 = arith.constant 0 : i32
    %dma_start3A_225 = tpu.memref_slice %arg5[%dma_start3A_218, %dma_start3A_224] : memref<32x128xi32, #tpu.memory_space<vmem>> -> memref<1x128xi32, #tpu.memory_space<vmem>>
    %dma_start3A_226 = tpu.memref_squeeze %dma_start3A_225 : memref<1x128xi32, #tpu.memory_space<vmem>> -> memref<128xi32, #tpu.memory_space<vmem>>
    %dma_start3A_227 = arith.constant 0 : i32
    %dma_start3A_228 = arith.constant 0 : i32
    %dma_start3A_229 = tpu.memref_slice %arg2[%dma_start3A_227, %dma_start3A_228] : memref<65536x8xf32, #tpu.memory_space<hbm>> -> memref<65536x8xf32, #tpu.memory_space<hbm>>
    tpu.enqueue_indirect_dma source(%dma_start3A_229 : memref<65536x8xf32, #tpu.memory_space<hbm>>) target(%dma_start3A_223 : memref<128x8xf32, #tpu.memory_space<vmem>>) offsets(%dma_start3A_226 : memref<128xi32, #tpu.memory_space<vmem>>) semaphore(%arg7 : memref<!tpu.dma_semaphore, #tpu.memory_space<semaphore_mem>>)
    %dma_start3A_230 = arith.constant 19 : i32
    %dma_start3A_231 = arith.constant 19 : i32
    %dma_start3A_232 = arith.constant 0 : i32
    %dma_start3A_233 = arith.constant 0 : i32
    %dma_start3A_234 = tpu.memref_slice %arg6[%dma_start3A_231, %dma_start3A_232, %dma_start3A_233] : memref<32x128x8xf32, #tpu.memory_space<vmem>> -> memref<1x128x8xf32, #tpu.memory_space<vmem>>
    %dma_start3A_235 = tpu.memref_squeeze %dma_start3A_234 : memref<1x128x8xf32, #tpu.memory_space<vmem>> -> memref<128x8xf32, #tpu.memory_space<vmem>>
    %dma_start3A_236 = arith.constant 0 : i32
    %dma_start3A_237 = tpu.memref_slice %arg5[%dma_start3A_230, %dma_start3A_236] : memref<32x128xi32, #tpu.memory_space<vmem>> -> memref<1x128xi32, #tpu.memory_space<vmem>>
    %dma_start3A_238 = tpu.memref_squeeze %dma_start3A_237 : memref<1x128xi32, #tpu.memory_space<vmem>> -> memref<128xi32, #tpu.memory_space<vmem>>
    %dma_start3A_239 = arith.constant 0 : i32
    %dma_start3A_240 = arith.constant 0 : i32
    %dma_start3A_241 = tpu.memref_slice %arg2[%dma_start3A_239, %dma_start3A_240] : memref<65536x8xf32, #tpu.memory_space<hbm>> -> memref<65536x8xf32, #tpu.memory_space<hbm>>
    tpu.enqueue_indirect_dma source(%dma_start3A_241 : memref<65536x8xf32, #tpu.memory_space<hbm>>) target(%dma_start3A_235 : memref<128x8xf32, #tpu.memory_space<vmem>>) offsets(%dma_start3A_238 : memref<128xi32, #tpu.memory_space<vmem>>) semaphore(%arg7 : memref<!tpu.dma_semaphore, #tpu.memory_space<semaphore_mem>>)
    %dma_start3A_242 = arith.constant 20 : i32
    %dma_start3A_243 = arith.constant 20 : i32
    %dma_start3A_244 = arith.constant 0 : i32
    %dma_start3A_245 = arith.constant 0 : i32
    %dma_start3A_246 = tpu.memref_slice %arg6[%dma_start3A_243, %dma_start3A_244, %dma_start3A_245] : memref<32x128x8xf32, #tpu.memory_space<vmem>> -> memref<1x128x8xf32, #tpu.memory_space<vmem>>
    %dma_start3A_247 = tpu.memref_squeeze %dma_start3A_246 : memref<1x128x8xf32, #tpu.memory_space<vmem>> -> memref<128x8xf32, #tpu.memory_space<vmem>>
    %dma_start3A_248 = arith.constant 0 : i32
    %dma_start3A_249 = tpu.memref_slice %arg5[%dma_start3A_242, %dma_start3A_248] : memref<32x128xi32, #tpu.memory_space<vmem>> -> memref<1x128xi32, #tpu.memory_space<vmem>>
    %dma_start3A_250 = tpu.memref_squeeze %dma_start3A_249 : memref<1x128xi32, #tpu.memory_space<vmem>> -> memref<128xi32, #tpu.memory_space<vmem>>
    %dma_start3A_251 = arith.constant 0 : i32
    %dma_start3A_252 = arith.constant 0 : i32
    %dma_start3A_253 = tpu.memref_slice %arg2[%dma_start3A_251, %dma_start3A_252] : memref<65536x8xf32, #tpu.memory_space<hbm>> -> memref<65536x8xf32, #tpu.memory_space<hbm>>
    tpu.enqueue_indirect_dma source(%dma_start3A_253 : memref<65536x8xf32, #tpu.memory_space<hbm>>) target(%dma_start3A_247 : memref<128x8xf32, #tpu.memory_space<vmem>>) offsets(%dma_start3A_250 : memref<128xi32, #tpu.memory_space<vmem>>) semaphore(%arg7 : memref<!tpu.dma_semaphore, #tpu.memory_space<semaphore_mem>>)
    %dma_start3A_254 = arith.constant 21 : i32
    %dma_start3A_255 = arith.constant 21 : i32
    %dma_start3A_256 = arith.constant 0 : i32
    %dma_start3A_257 = arith.constant 0 : i32
    %dma_start3A_258 = tpu.memref_slice %arg6[%dma_start3A_255, %dma_start3A_256, %dma_start3A_257] : memref<32x128x8xf32, #tpu.memory_space<vmem>> -> memref<1x128x8xf32, #tpu.memory_space<vmem>>
    %dma_start3A_259 = tpu.memref_squeeze %dma_start3A_258 : memref<1x128x8xf32, #tpu.memory_space<vmem>> -> memref<128x8xf32, #tpu.memory_space<vmem>>
    %dma_start3A_260 = arith.constant 0 : i32
    %dma_start3A_261 = tpu.memref_slice %arg5[%dma_start3A_254, %dma_start3A_260] : memref<32x128xi32, #tpu.memory_space<vmem>> -> memref<1x128xi32, #tpu.memory_space<vmem>>
    %dma_start3A_262 = tpu.memref_squeeze %dma_start3A_261 : memref<1x128xi32, #tpu.memory_space<vmem>> -> memref<128xi32, #tpu.memory_space<vmem>>
    %dma_start3A_263 = arith.constant 0 : i32
    %dma_start3A_264 = arith.constant 0 : i32
    %dma_start3A_265 = tpu.memref_slice %arg2[%dma_start3A_263, %dma_start3A_264] : memref<65536x8xf32, #tpu.memory_space<hbm>> -> memref<65536x8xf32, #tpu.memory_space<hbm>>
    tpu.enqueue_indirect_dma source(%dma_start3A_265 : memref<65536x8xf32, #tpu.memory_space<hbm>>) target(%dma_start3A_259 : memref<128x8xf32, #tpu.memory_space<vmem>>) offsets(%dma_start3A_262 : memref<128xi32, #tpu.memory_space<vmem>>) semaphore(%arg7 : memref<!tpu.dma_semaphore, #tpu.memory_space<semaphore_mem>>)
    %dma_start3A_266 = arith.constant 22 : i32
    %dma_start3A_267 = arith.constant 22 : i32
    %dma_start3A_268 = arith.constant 0 : i32
    %dma_start3A_269 = arith.constant 0 : i32
    %dma_start3A_270 = tpu.memref_slice %arg6[%dma_start3A_267, %dma_start3A_268, %dma_start3A_269] : memref<32x128x8xf32, #tpu.memory_space<vmem>> -> memref<1x128x8xf32, #tpu.memory_space<vmem>>
    %dma_start3A_271 = tpu.memref_squeeze %dma_start3A_270 : memref<1x128x8xf32, #tpu.memory_space<vmem>> -> memref<128x8xf32, #tpu.memory_space<vmem>>
    %dma_start3A_272 = arith.constant 0 : i32
    %dma_start3A_273 = tpu.memref_slice %arg5[%dma_start3A_266, %dma_start3A_272] : memref<32x128xi32, #tpu.memory_space<vmem>> -> memref<1x128xi32, #tpu.memory_space<vmem>>
    %dma_start3A_274 = tpu.memref_squeeze %dma_start3A_273 : memref<1x128xi32, #tpu.memory_space<vmem>> -> memref<128xi32, #tpu.memory_space<vmem>>
    %dma_start3A_275 = arith.constant 0 : i32
    %dma_start3A_276 = arith.constant 0 : i32
    %dma_start3A_277 = tpu.memref_slice %arg2[%dma_start3A_275, %dma_start3A_276] : memref<65536x8xf32, #tpu.memory_space<hbm>> -> memref<65536x8xf32, #tpu.memory_space<hbm>>
    tpu.enqueue_indirect_dma source(%dma_start3A_277 : memref<65536x8xf32, #tpu.memory_space<hbm>>) target(%dma_start3A_271 : memref<128x8xf32, #tpu.memory_space<vmem>>) offsets(%dma_start3A_274 : memref<128xi32, #tpu.memory_space<vmem>>) semaphore(%arg7 : memref<!tpu.dma_semaphore, #tpu.memory_space<semaphore_mem>>)
    %dma_start3A_278 = arith.constant 23 : i32
    %dma_start3A_279 = arith.constant 23 : i32
    %dma_start3A_280 = arith.constant 0 : i32
    %dma_start3A_281 = arith.constant 0 : i32
    %dma_start3A_282 = tpu.memref_slice %arg6[%dma_start3A_279, %dma_start3A_280, %dma_start3A_281] : memref<32x128x8xf32, #tpu.memory_space<vmem>> -> memref<1x128x8xf32, #tpu.memory_space<vmem>>
    %dma_start3A_283 = tpu.memref_squeeze %dma_start3A_282 : memref<1x128x8xf32, #tpu.memory_space<vmem>> -> memref<128x8xf32, #tpu.memory_space<vmem>>
    %dma_start3A_284 = arith.constant 0 : i32
    %dma_start3A_285 = tpu.memref_slice %arg5[%dma_start3A_278, %dma_start3A_284] : memref<32x128xi32, #tpu.memory_space<vmem>> -> memref<1x128xi32, #tpu.memory_space<vmem>>
    %dma_start3A_286 = tpu.memref_squeeze %dma_start3A_285 : memref<1x128xi32, #tpu.memory_space<vmem>> -> memref<128xi32, #tpu.memory_space<vmem>>
    %dma_start3A_287 = arith.constant 0 : i32
    %dma_start3A_288 = arith.constant 0 : i32
    %dma_start3A_289 = tpu.memref_slice %arg2[%dma_start3A_287, %dma_start3A_288] : memref<65536x8xf32, #tpu.memory_space<hbm>> -> memref<65536x8xf32, #tpu.memory_space<hbm>>
    tpu.enqueue_indirect_dma source(%dma_start3A_289 : memref<65536x8xf32, #tpu.memory_space<hbm>>) target(%dma_start3A_283 : memref<128x8xf32, #tpu.memory_space<vmem>>) offsets(%dma_start3A_286 : memref<128xi32, #tpu.memory_space<vmem>>) semaphore(%arg7 : memref<!tpu.dma_semaphore, #tpu.memory_space<semaphore_mem>>)
    %dma_start3A_290 = arith.constant 24 : i32
    %dma_start3A_291 = arith.constant 24 : i32
    %dma_start3A_292 = arith.constant 0 : i32
    %dma_start3A_293 = arith.constant 0 : i32
    %dma_start3A_294 = tpu.memref_slice %arg6[%dma_start3A_291, %dma_start3A_292, %dma_start3A_293] : memref<32x128x8xf32, #tpu.memory_space<vmem>> -> memref<1x128x8xf32, #tpu.memory_space<vmem>>
    %dma_start3A_295 = tpu.memref_squeeze %dma_start3A_294 : memref<1x128x8xf32, #tpu.memory_space<vmem>> -> memref<128x8xf32, #tpu.memory_space<vmem>>
    %dma_start3A_296 = arith.constant 0 : i32
    %dma_start3A_297 = tpu.memref_slice %arg5[%dma_start3A_290, %dma_start3A_296] : memref<32x128xi32, #tpu.memory_space<vmem>> -> memref<1x128xi32, #tpu.memory_space<vmem>>
    %dma_start3A_298 = tpu.memref_squeeze %dma_start3A_297 : memref<1x128xi32, #tpu.memory_space<vmem>> -> memref<128xi32, #tpu.memory_space<vmem>>
    %dma_start3A_299 = arith.constant 0 : i32
    %dma_start3A_300 = arith.constant 0 : i32
    %dma_start3A_301 = tpu.memref_slice %arg2[%dma_start3A_299, %dma_start3A_300] : memref<65536x8xf32, #tpu.memory_space<hbm>> -> memref<65536x8xf32, #tpu.memory_space<hbm>>
    tpu.enqueue_indirect_dma source(%dma_start3A_301 : memref<65536x8xf32, #tpu.memory_space<hbm>>) target(%dma_start3A_295 : memref<128x8xf32, #tpu.memory_space<vmem>>) offsets(%dma_start3A_298 : memref<128xi32, #tpu.memory_space<vmem>>) semaphore(%arg7 : memref<!tpu.dma_semaphore, #tpu.memory_space<semaphore_mem>>)
    %dma_start3A_302 = arith.constant 25 : i32
    %dma_start3A_303 = arith.constant 25 : i32
    %dma_start3A_304 = arith.constant 0 : i32
    %dma_start3A_305 = arith.constant 0 : i32
    %dma_start3A_306 = tpu.memref_slice %arg6[%dma_start3A_303, %dma_start3A_304, %dma_start3A_305] : memref<32x128x8xf32, #tpu.memory_space<vmem>> -> memref<1x128x8xf32, #tpu.memory_space<vmem>>
    %dma_start3A_307 = tpu.memref_squeeze %dma_start3A_306 : memref<1x128x8xf32, #tpu.memory_space<vmem>> -> memref<128x8xf32, #tpu.memory_space<vmem>>
    %dma_start3A_308 = arith.constant 0 : i32
    %dma_start3A_309 = tpu.memref_slice %arg5[%dma_start3A_302, %dma_start3A_308] : memref<32x128xi32, #tpu.memory_space<vmem>> -> memref<1x128xi32, #tpu.memory_space<vmem>>
    %dma_start3A_310 = tpu.memref_squeeze %dma_start3A_309 : memref<1x128xi32, #tpu.memory_space<vmem>> -> memref<128xi32, #tpu.memory_space<vmem>>
    %dma_start3A_311 = arith.constant 0 : i32
    %dma_start3A_312 = arith.constant 0 : i32
    %dma_start3A_313 = tpu.memref_slice %arg2[%dma_start3A_311, %dma_start3A_312] : memref<65536x8xf32, #tpu.memory_space<hbm>> -> memref<65536x8xf32, #tpu.memory_space<hbm>>
    tpu.enqueue_indirect_dma source(%dma_start3A_313 : memref<65536x8xf32, #tpu.memory_space<hbm>>) target(%dma_start3A_307 : memref<128x8xf32, #tpu.memory_space<vmem>>) offsets(%dma_start3A_310 : memref<128xi32, #tpu.memory_space<vmem>>) semaphore(%arg7 : memref<!tpu.dma_semaphore, #tpu.memory_space<semaphore_mem>>)
    %dma_start3A_314 = arith.constant 26 : i32
    %dma_start3A_315 = arith.constant 26 : i32
    %dma_start3A_316 = arith.constant 0 : i32
    %dma_start3A_317 = arith.constant 0 : i32
    %dma_start3A_318 = tpu.memref_slice %arg6[%dma_start3A_315, %dma_start3A_316, %dma_start3A_317] : memref<32x128x8xf32, #tpu.memory_space<vmem>> -> memref<1x128x8xf32, #tpu.memory_space<vmem>>
    %dma_start3A_319 = tpu.memref_squeeze %dma_start3A_318 : memref<1x128x8xf32, #tpu.memory_space<vmem>> -> memref<128x8xf32, #tpu.memory_space<vmem>>
    %dma_start3A_320 = arith.constant 0 : i32
    %dma_start3A_321 = tpu.memref_slice %arg5[%dma_start3A_314, %dma_start3A_320] : memref<32x128xi32, #tpu.memory_space<vmem>> -> memref<1x128xi32, #tpu.memory_space<vmem>>
    %dma_start3A_322 = tpu.memref_squeeze %dma_start3A_321 : memref<1x128xi32, #tpu.memory_space<vmem>> -> memref<128xi32, #tpu.memory_space<vmem>>
    %dma_start3A_323 = arith.constant 0 : i32
    %dma_start3A_324 = arith.constant 0 : i32
    %dma_start3A_325 = tpu.memref_slice %arg2[%dma_start3A_323, %dma_start3A_324] : memref<65536x8xf32, #tpu.memory_space<hbm>> -> memref<65536x8xf32, #tpu.memory_space<hbm>>
    tpu.enqueue_indirect_dma source(%dma_start3A_325 : memref<65536x8xf32, #tpu.memory_space<hbm>>) target(%dma_start3A_319 : memref<128x8xf32, #tpu.memory_space<vmem>>) offsets(%dma_start3A_322 : memref<128xi32, #tpu.memory_space<vmem>>) semaphore(%arg7 : memref<!tpu.dma_semaphore, #tpu.memory_space<semaphore_mem>>)
    %dma_start3A_326 = arith.constant 27 : i32
    %dma_start3A_327 = arith.constant 27 : i32
    %dma_start3A_328 = arith.constant 0 : i32
    %dma_start3A_329 = arith.constant 0 : i32
    %dma_start3A_330 = tpu.memref_slice %arg6[%dma_start3A_327, %dma_start3A_328, %dma_start3A_329] : memref<32x128x8xf32, #tpu.memory_space<vmem>> -> memref<1x128x8xf32, #tpu.memory_space<vmem>>
    %dma_start3A_331 = tpu.memref_squeeze %dma_start3A_330 : memref<1x128x8xf32, #tpu.memory_space<vmem>> -> memref<128x8xf32, #tpu.memory_space<vmem>>
    %dma_start3A_332 = arith.constant 0 : i32
    %dma_start3A_333 = tpu.memref_slice %arg5[%dma_start3A_326, %dma_start3A_332] : memref<32x128xi32, #tpu.memory_space<vmem>> -> memref<1x128xi32, #tpu.memory_space<vmem>>
    %dma_start3A_334 = tpu.memref_squeeze %dma_start3A_333 : memref<1x128xi32, #tpu.memory_space<vmem>> -> memref<128xi32, #tpu.memory_space<vmem>>
    %dma_start3A_335 = arith.constant 0 : i32
    %dma_start3A_336 = arith.constant 0 : i32
    %dma_start3A_337 = tpu.memref_slice %arg2[%dma_start3A_335, %dma_start3A_336] : memref<65536x8xf32, #tpu.memory_space<hbm>> -> memref<65536x8xf32, #tpu.memory_space<hbm>>
    tpu.enqueue_indirect_dma source(%dma_start3A_337 : memref<65536x8xf32, #tpu.memory_space<hbm>>) target(%dma_start3A_331 : memref<128x8xf32, #tpu.memory_space<vmem>>) offsets(%dma_start3A_334 : memref<128xi32, #tpu.memory_space<vmem>>) semaphore(%arg7 : memref<!tpu.dma_semaphore, #tpu.memory_space<semaphore_mem>>)
    %dma_start3A_338 = arith.constant 28 : i32
    %dma_start3A_339 = arith.constant 28 : i32
    %dma_start3A_340 = arith.constant 0 : i32
    %dma_start3A_341 = arith.constant 0 : i32
    %dma_start3A_342 = tpu.memref_slice %arg6[%dma_start3A_339, %dma_start3A_340, %dma_start3A_341] : memref<32x128x8xf32, #tpu.memory_space<vmem>> -> memref<1x128x8xf32, #tpu.memory_space<vmem>>
    %dma_start3A_343 = tpu.memref_squeeze %dma_start3A_342 : memref<1x128x8xf32, #tpu.memory_space<vmem>> -> memref<128x8xf32, #tpu.memory_space<vmem>>
    %dma_start3A_344 = arith.constant 0 : i32
    %dma_start3A_345 = tpu.memref_slice %arg5[%dma_start3A_338, %dma_start3A_344] : memref<32x128xi32, #tpu.memory_space<vmem>> -> memref<1x128xi32, #tpu.memory_space<vmem>>
    %dma_start3A_346 = tpu.memref_squeeze %dma_start3A_345 : memref<1x128xi32, #tpu.memory_space<vmem>> -> memref<128xi32, #tpu.memory_space<vmem>>
    %dma_start3A_347 = arith.constant 0 : i32
    %dma_start3A_348 = arith.constant 0 : i32
    %dma_start3A_349 = tpu.memref_slice %arg2[%dma_start3A_347, %dma_start3A_348] : memref<65536x8xf32, #tpu.memory_space<hbm>> -> memref<65536x8xf32, #tpu.memory_space<hbm>>
    tpu.enqueue_indirect_dma source(%dma_start3A_349 : memref<65536x8xf32, #tpu.memory_space<hbm>>) target(%dma_start3A_343 : memref<128x8xf32, #tpu.memory_space<vmem>>) offsets(%dma_start3A_346 : memref<128xi32, #tpu.memory_space<vmem>>) semaphore(%arg7 : memref<!tpu.dma_semaphore, #tpu.memory_space<semaphore_mem>>)
    %dma_start3A_350 = arith.constant 29 : i32
    %dma_start3A_351 = arith.constant 29 : i32
    %dma_start3A_352 = arith.constant 0 : i32
    %dma_start3A_353 = arith.constant 0 : i32
    %dma_start3A_354 = tpu.memref_slice %arg6[%dma_start3A_351, %dma_start3A_352, %dma_start3A_353] : memref<32x128x8xf32, #tpu.memory_space<vmem>> -> memref<1x128x8xf32, #tpu.memory_space<vmem>>
    %dma_start3A_355 = tpu.memref_squeeze %dma_start3A_354 : memref<1x128x8xf32, #tpu.memory_space<vmem>> -> memref<128x8xf32, #tpu.memory_space<vmem>>
    %dma_start3A_356 = arith.constant 0 : i32
    %dma_start3A_357 = tpu.memref_slice %arg5[%dma_start3A_350, %dma_start3A_356] : memref<32x128xi32, #tpu.memory_space<vmem>> -> memref<1x128xi32, #tpu.memory_space<vmem>>
    %dma_start3A_358 = tpu.memref_squeeze %dma_start3A_357 : memref<1x128xi32, #tpu.memory_space<vmem>> -> memref<128xi32, #tpu.memory_space<vmem>>
    %dma_start3A_359 = arith.constant 0 : i32
    %dma_start3A_360 = arith.constant 0 : i32
    %dma_start3A_361 = tpu.memref_slice %arg2[%dma_start3A_359, %dma_start3A_360] : memref<65536x8xf32, #tpu.memory_space<hbm>> -> memref<65536x8xf32, #tpu.memory_space<hbm>>
    tpu.enqueue_indirect_dma source(%dma_start3A_361 : memref<65536x8xf32, #tpu.memory_space<hbm>>) target(%dma_start3A_355 : memref<128x8xf32, #tpu.memory_space<vmem>>) offsets(%dma_start3A_358 : memref<128xi32, #tpu.memory_space<vmem>>) semaphore(%arg7 : memref<!tpu.dma_semaphore, #tpu.memory_space<semaphore_mem>>)
    %dma_start3A_362 = arith.constant 30 : i32
    %dma_start3A_363 = arith.constant 30 : i32
    %dma_start3A_364 = arith.constant 0 : i32
    %dma_start3A_365 = arith.constant 0 : i32
    %dma_start3A_366 = tpu.memref_slice %arg6[%dma_start3A_363, %dma_start3A_364, %dma_start3A_365] : memref<32x128x8xf32, #tpu.memory_space<vmem>> -> memref<1x128x8xf32, #tpu.memory_space<vmem>>
    %dma_start3A_367 = tpu.memref_squeeze %dma_start3A_366 : memref<1x128x8xf32, #tpu.memory_space<vmem>> -> memref<128x8xf32, #tpu.memory_space<vmem>>
    %dma_start3A_368 = arith.constant 0 : i32
    %dma_start3A_369 = tpu.memref_slice %arg5[%dma_start3A_362, %dma_start3A_368] : memref<32x128xi32, #tpu.memory_space<vmem>> -> memref<1x128xi32, #tpu.memory_space<vmem>>
    %dma_start3A_370 = tpu.memref_squeeze %dma_start3A_369 : memref<1x128xi32, #tpu.memory_space<vmem>> -> memref<128xi32, #tpu.memory_space<vmem>>
    %dma_start3A_371 = arith.constant 0 : i32
    %dma_start3A_372 = arith.constant 0 : i32
    %dma_start3A_373 = tpu.memref_slice %arg2[%dma_start3A_371, %dma_start3A_372] : memref<65536x8xf32, #tpu.memory_space<hbm>> -> memref<65536x8xf32, #tpu.memory_space<hbm>>
    tpu.enqueue_indirect_dma source(%dma_start3A_373 : memref<65536x8xf32, #tpu.memory_space<hbm>>) target(%dma_start3A_367 : memref<128x8xf32, #tpu.memory_space<vmem>>) offsets(%dma_start3A_370 : memref<128xi32, #tpu.memory_space<vmem>>) semaphore(%arg7 : memref<!tpu.dma_semaphore, #tpu.memory_space<semaphore_mem>>)
    %dma_start3A_374 = arith.constant 31 : i32
    %dma_start3A_375 = arith.constant 31 : i32
    %dma_start3A_376 = arith.constant 0 : i32
    %dma_start3A_377 = arith.constant 0 : i32
    %dma_start3A_378 = tpu.memref_slice %arg6[%dma_start3A_375, %dma_start3A_376, %dma_start3A_377] : memref<32x128x8xf32, #tpu.memory_space<vmem>> -> memref<1x128x8xf32, #tpu.memory_space<vmem>>
    %dma_start3A_379 = tpu.memref_squeeze %dma_start3A_378 : memref<1x128x8xf32, #tpu.memory_space<vmem>> -> memref<128x8xf32, #tpu.memory_space<vmem>>
    %dma_start3A_380 = arith.constant 0 : i32
    %dma_start3A_381 = tpu.memref_slice %arg5[%dma_start3A_374, %dma_start3A_380] : memref<32x128xi32, #tpu.memory_space<vmem>> -> memref<1x128xi32, #tpu.memory_space<vmem>>
    %dma_start3A_382 = tpu.memref_squeeze %dma_start3A_381 : memref<1x128xi32, #tpu.memory_space<vmem>> -> memref<128xi32, #tpu.memory_space<vmem>>
    %dma_start3A_383 = arith.constant 0 : i32
    %dma_start3A_384 = arith.constant 0 : i32
    %dma_start3A_385 = tpu.memref_slice %arg2[%dma_start3A_383, %dma_start3A_384] : memref<65536x8xf32, #tpu.memory_space<hbm>> -> memref<65536x8xf32, #tpu.memory_space<hbm>>
    tpu.enqueue_indirect_dma source(%dma_start3A_385 : memref<65536x8xf32, #tpu.memory_space<hbm>>) target(%dma_start3A_379 : memref<128x8xf32, #tpu.memory_space<vmem>>) offsets(%dma_start3A_382 : memref<128xi32, #tpu.memory_space<vmem>>) semaphore(%arg7 : memref<!tpu.dma_semaphore, #tpu.memory_space<semaphore_mem>>)
    %dma_wait3A = arith.constant 0 : i32
    %dma_wait3A_386 = arith.constant 0 : i32
    %dma_wait3A_387 = arith.constant 0 : i32
    %dma_wait3A_388 = arith.constant 0 : i32
    %dma_wait3A_389 = tpu.memref_slice %arg6[%dma_wait3A_386, %dma_wait3A_387, %dma_wait3A_388] : memref<32x128x8xf32, #tpu.memory_space<vmem>> -> memref<1x128x8xf32, #tpu.memory_space<vmem>>
    %dma_wait3A_390 = tpu.memref_squeeze %dma_wait3A_389 : memref<1x128x8xf32, #tpu.memory_space<vmem>> -> memref<128x8xf32, #tpu.memory_space<vmem>>
    %dma_wait3A_391 = arith.constant 0 : i32
    %dma_wait3A_392 = tpu.memref_slice %arg5[%dma_wait3A, %dma_wait3A_391] : memref<32x128xi32, #tpu.memory_space<vmem>> -> memref<1x128xi32, #tpu.memory_space<vmem>>
    %dma_wait3A_393 = tpu.memref_squeeze %dma_wait3A_392 : memref<1x128xi32, #tpu.memory_space<vmem>> -> memref<128xi32, #tpu.memory_space<vmem>>
    %dma_wait3A_394 = arith.constant 0 : i32
    %dma_wait3A_395 = arith.constant 0 : i32
    %dma_wait3A_396 = tpu.memref_slice %arg2[%dma_wait3A_394, %dma_wait3A_395] : memref<65536x8xf32, #tpu.memory_space<hbm>> -> memref<65536x8xf32, #tpu.memory_space<hbm>>
    tpu.wait_indirect_dma semaphore(%arg7 : memref<!tpu.dma_semaphore, #tpu.memory_space<semaphore_mem>>) src(%dma_wait3A_396 : memref<65536x8xf32, #tpu.memory_space<hbm>>) dst(%dma_wait3A_390 : memref<128x8xf32, #tpu.memory_space<vmem>>)
    %dma_wait3A_397 = arith.constant 1 : i32
    %dma_wait3A_398 = arith.constant 1 : i32
    %dma_wait3A_399 = arith.constant 0 : i32
    %dma_wait3A_400 = arith.constant 0 : i32
    %dma_wait3A_401 = tpu.memref_slice %arg6[%dma_wait3A_398, %dma_wait3A_399, %dma_wait3A_400] : memref<32x128x8xf32, #tpu.memory_space<vmem>> -> memref<1x128x8xf32, #tpu.memory_space<vmem>>
    %dma_wait3A_402 = tpu.memref_squeeze %dma_wait3A_401 : memref<1x128x8xf32, #tpu.memory_space<vmem>> -> memref<128x8xf32, #tpu.memory_space<vmem>>
    %dma_wait3A_403 = arith.constant 0 : i32
    %dma_wait3A_404 = tpu.memref_slice %arg5[%dma_wait3A_397, %dma_wait3A_403] : memref<32x128xi32, #tpu.memory_space<vmem>> -> memref<1x128xi32, #tpu.memory_space<vmem>>
    %dma_wait3A_405 = tpu.memref_squeeze %dma_wait3A_404 : memref<1x128xi32, #tpu.memory_space<vmem>> -> memref<128xi32, #tpu.memory_space<vmem>>
    %dma_wait3A_406 = arith.constant 0 : i32
    %dma_wait3A_407 = arith.constant 0 : i32
    %dma_wait3A_408 = tpu.memref_slice %arg2[%dma_wait3A_406, %dma_wait3A_407] : memref<65536x8xf32, #tpu.memory_space<hbm>> -> memref<65536x8xf32, #tpu.memory_space<hbm>>
    tpu.wait_indirect_dma semaphore(%arg7 : memref<!tpu.dma_semaphore, #tpu.memory_space<semaphore_mem>>) src(%dma_wait3A_408 : memref<65536x8xf32, #tpu.memory_space<hbm>>) dst(%dma_wait3A_402 : memref<128x8xf32, #tpu.memory_space<vmem>>)
    %dma_wait3A_409 = arith.constant 2 : i32
    %dma_wait3A_410 = arith.constant 2 : i32
    %dma_wait3A_411 = arith.constant 0 : i32
    %dma_wait3A_412 = arith.constant 0 : i32
    %dma_wait3A_413 = tpu.memref_slice %arg6[%dma_wait3A_410, %dma_wait3A_411, %dma_wait3A_412] : memref<32x128x8xf32, #tpu.memory_space<vmem>> -> memref<1x128x8xf32, #tpu.memory_space<vmem>>
    %dma_wait3A_414 = tpu.memref_squeeze %dma_wait3A_413 : memref<1x128x8xf32, #tpu.memory_space<vmem>> -> memref<128x8xf32, #tpu.memory_space<vmem>>
    %dma_wait3A_415 = arith.constant 0 : i32
    %dma_wait3A_416 = tpu.memref_slice %arg5[%dma_wait3A_409, %dma_wait3A_415] : memref<32x128xi32, #tpu.memory_space<vmem>> -> memref<1x128xi32, #tpu.memory_space<vmem>>
    %dma_wait3A_417 = tpu.memref_squeeze %dma_wait3A_416 : memref<1x128xi32, #tpu.memory_space<vmem>> -> memref<128xi32, #tpu.memory_space<vmem>>
    %dma_wait3A_418 = arith.constant 0 : i32
    %dma_wait3A_419 = arith.constant 0 : i32
    %dma_wait3A_420 = tpu.memref_slice %arg2[%dma_wait3A_418, %dma_wait3A_419] : memref<65536x8xf32, #tpu.memory_space<hbm>> -> memref<65536x8xf32, #tpu.memory_space<hbm>>
    tpu.wait_indirect_dma semaphore(%arg7 : memref<!tpu.dma_semaphore, #tpu.memory_space<semaphore_mem>>) src(%dma_wait3A_420 : memref<65536x8xf32, #tpu.memory_space<hbm>>) dst(%dma_wait3A_414 : memref<128x8xf32, #tpu.memory_space<vmem>>)
    %dma_wait3A_421 = arith.constant 3 : i32
    %dma_wait3A_422 = arith.constant 3 : i32
    %dma_wait3A_423 = arith.constant 0 : i32
    %dma_wait3A_424 = arith.constant 0 : i32
    %dma_wait3A_425 = tpu.memref_slice %arg6[%dma_wait3A_422, %dma_wait3A_423, %dma_wait3A_424] : memref<32x128x8xf32, #tpu.memory_space<vmem>> -> memref<1x128x8xf32, #tpu.memory_space<vmem>>
    %dma_wait3A_426 = tpu.memref_squeeze %dma_wait3A_425 : memref<1x128x8xf32, #tpu.memory_space<vmem>> -> memref<128x8xf32, #tpu.memory_space<vmem>>
    %dma_wait3A_427 = arith.constant 0 : i32
    %dma_wait3A_428 = tpu.memref_slice %arg5[%dma_wait3A_421, %dma_wait3A_427] : memref<32x128xi32, #tpu.memory_space<vmem>> -> memref<1x128xi32, #tpu.memory_space<vmem>>
    %dma_wait3A_429 = tpu.memref_squeeze %dma_wait3A_428 : memref<1x128xi32, #tpu.memory_space<vmem>> -> memref<128xi32, #tpu.memory_space<vmem>>
    %dma_wait3A_430 = arith.constant 0 : i32
    %dma_wait3A_431 = arith.constant 0 : i32
    %dma_wait3A_432 = tpu.memref_slice %arg2[%dma_wait3A_430, %dma_wait3A_431] : memref<65536x8xf32, #tpu.memory_space<hbm>> -> memref<65536x8xf32, #tpu.memory_space<hbm>>
    tpu.wait_indirect_dma semaphore(%arg7 : memref<!tpu.dma_semaphore, #tpu.memory_space<semaphore_mem>>) src(%dma_wait3A_432 : memref<65536x8xf32, #tpu.memory_space<hbm>>) dst(%dma_wait3A_426 : memref<128x8xf32, #tpu.memory_space<vmem>>)
    %dma_wait3A_433 = arith.constant 4 : i32
    %dma_wait3A_434 = arith.constant 4 : i32
    %dma_wait3A_435 = arith.constant 0 : i32
    %dma_wait3A_436 = arith.constant 0 : i32
    %dma_wait3A_437 = tpu.memref_slice %arg6[%dma_wait3A_434, %dma_wait3A_435, %dma_wait3A_436] : memref<32x128x8xf32, #tpu.memory_space<vmem>> -> memref<1x128x8xf32, #tpu.memory_space<vmem>>
    %dma_wait3A_438 = tpu.memref_squeeze %dma_wait3A_437 : memref<1x128x8xf32, #tpu.memory_space<vmem>> -> memref<128x8xf32, #tpu.memory_space<vmem>>
    %dma_wait3A_439 = arith.constant 0 : i32
    %dma_wait3A_440 = tpu.memref_slice %arg5[%dma_wait3A_433, %dma_wait3A_439] : memref<32x128xi32, #tpu.memory_space<vmem>> -> memref<1x128xi32, #tpu.memory_space<vmem>>
    %dma_wait3A_441 = tpu.memref_squeeze %dma_wait3A_440 : memref<1x128xi32, #tpu.memory_space<vmem>> -> memref<128xi32, #tpu.memory_space<vmem>>
    %dma_wait3A_442 = arith.constant 0 : i32
    %dma_wait3A_443 = arith.constant 0 : i32
    %dma_wait3A_444 = tpu.memref_slice %arg2[%dma_wait3A_442, %dma_wait3A_443] : memref<65536x8xf32, #tpu.memory_space<hbm>> -> memref<65536x8xf32, #tpu.memory_space<hbm>>
    tpu.wait_indirect_dma semaphore(%arg7 : memref<!tpu.dma_semaphore, #tpu.memory_space<semaphore_mem>>) src(%dma_wait3A_444 : memref<65536x8xf32, #tpu.memory_space<hbm>>) dst(%dma_wait3A_438 : memref<128x8xf32, #tpu.memory_space<vmem>>)
    %dma_wait3A_445 = arith.constant 5 : i32
    %dma_wait3A_446 = arith.constant 5 : i32
    %dma_wait3A_447 = arith.constant 0 : i32
    %dma_wait3A_448 = arith.constant 0 : i32
    %dma_wait3A_449 = tpu.memref_slice %arg6[%dma_wait3A_446, %dma_wait3A_447, %dma_wait3A_448] : memref<32x128x8xf32, #tpu.memory_space<vmem>> -> memref<1x128x8xf32, #tpu.memory_space<vmem>>
    %dma_wait3A_450 = tpu.memref_squeeze %dma_wait3A_449 : memref<1x128x8xf32, #tpu.memory_space<vmem>> -> memref<128x8xf32, #tpu.memory_space<vmem>>
    %dma_wait3A_451 = arith.constant 0 : i32
    %dma_wait3A_452 = tpu.memref_slice %arg5[%dma_wait3A_445, %dma_wait3A_451] : memref<32x128xi32, #tpu.memory_space<vmem>> -> memref<1x128xi32, #tpu.memory_space<vmem>>
    %dma_wait3A_453 = tpu.memref_squeeze %dma_wait3A_452 : memref<1x128xi32, #tpu.memory_space<vmem>> -> memref<128xi32, #tpu.memory_space<vmem>>
    %dma_wait3A_454 = arith.constant 0 : i32
    %dma_wait3A_455 = arith.constant 0 : i32
    %dma_wait3A_456 = tpu.memref_slice %arg2[%dma_wait3A_454, %dma_wait3A_455] : memref<65536x8xf32, #tpu.memory_space<hbm>> -> memref<65536x8xf32, #tpu.memory_space<hbm>>
    tpu.wait_indirect_dma semaphore(%arg7 : memref<!tpu.dma_semaphore, #tpu.memory_space<semaphore_mem>>) src(%dma_wait3A_456 : memref<65536x8xf32, #tpu.memory_space<hbm>>) dst(%dma_wait3A_450 : memref<128x8xf32, #tpu.memory_space<vmem>>)
    %dma_wait3A_457 = arith.constant 6 : i32
    %dma_wait3A_458 = arith.constant 6 : i32
    %dma_wait3A_459 = arith.constant 0 : i32
    %dma_wait3A_460 = arith.constant 0 : i32
    %dma_wait3A_461 = tpu.memref_slice %arg6[%dma_wait3A_458, %dma_wait3A_459, %dma_wait3A_460] : memref<32x128x8xf32, #tpu.memory_space<vmem>> -> memref<1x128x8xf32, #tpu.memory_space<vmem>>
    %dma_wait3A_462 = tpu.memref_squeeze %dma_wait3A_461 : memref<1x128x8xf32, #tpu.memory_space<vmem>> -> memref<128x8xf32, #tpu.memory_space<vmem>>
    %dma_wait3A_463 = arith.constant 0 : i32
    %dma_wait3A_464 = tpu.memref_slice %arg5[%dma_wait3A_457, %dma_wait3A_463] : memref<32x128xi32, #tpu.memory_space<vmem>> -> memref<1x128xi32, #tpu.memory_space<vmem>>
    %dma_wait3A_465 = tpu.memref_squeeze %dma_wait3A_464 : memref<1x128xi32, #tpu.memory_space<vmem>> -> memref<128xi32, #tpu.memory_space<vmem>>
    %dma_wait3A_466 = arith.constant 0 : i32
    %dma_wait3A_467 = arith.constant 0 : i32
    %dma_wait3A_468 = tpu.memref_slice %arg2[%dma_wait3A_466, %dma_wait3A_467] : memref<65536x8xf32, #tpu.memory_space<hbm>> -> memref<65536x8xf32, #tpu.memory_space<hbm>>
    tpu.wait_indirect_dma semaphore(%arg7 : memref<!tpu.dma_semaphore, #tpu.memory_space<semaphore_mem>>) src(%dma_wait3A_468 : memref<65536x8xf32, #tpu.memory_space<hbm>>) dst(%dma_wait3A_462 : memref<128x8xf32, #tpu.memory_space<vmem>>)
    %dma_wait3A_469 = arith.constant 7 : i32
    %dma_wait3A_470 = arith.constant 7 : i32
    %dma_wait3A_471 = arith.constant 0 : i32
    %dma_wait3A_472 = arith.constant 0 : i32
    %dma_wait3A_473 = tpu.memref_slice %arg6[%dma_wait3A_470, %dma_wait3A_471, %dma_wait3A_472] : memref<32x128x8xf32, #tpu.memory_space<vmem>> -> memref<1x128x8xf32, #tpu.memory_space<vmem>>
    %dma_wait3A_474 = tpu.memref_squeeze %dma_wait3A_473 : memref<1x128x8xf32, #tpu.memory_space<vmem>> -> memref<128x8xf32, #tpu.memory_space<vmem>>
    %dma_wait3A_475 = arith.constant 0 : i32
    %dma_wait3A_476 = tpu.memref_slice %arg5[%dma_wait3A_469, %dma_wait3A_475] : memref<32x128xi32, #tpu.memory_space<vmem>> -> memref<1x128xi32, #tpu.memory_space<vmem>>
    %dma_wait3A_477 = tpu.memref_squeeze %dma_wait3A_476 : memref<1x128xi32, #tpu.memory_space<vmem>> -> memref<128xi32, #tpu.memory_space<vmem>>
    %dma_wait3A_478 = arith.constant 0 : i32
    %dma_wait3A_479 = arith.constant 0 : i32
    %dma_wait3A_480 = tpu.memref_slice %arg2[%dma_wait3A_478, %dma_wait3A_479] : memref<65536x8xf32, #tpu.memory_space<hbm>> -> memref<65536x8xf32, #tpu.memory_space<hbm>>
    tpu.wait_indirect_dma semaphore(%arg7 : memref<!tpu.dma_semaphore, #tpu.memory_space<semaphore_mem>>) src(%dma_wait3A_480 : memref<65536x8xf32, #tpu.memory_space<hbm>>) dst(%dma_wait3A_474 : memref<128x8xf32, #tpu.memory_space<vmem>>)
    %dma_wait3A_481 = arith.constant 8 : i32
    %dma_wait3A_482 = arith.constant 8 : i32
    %dma_wait3A_483 = arith.constant 0 : i32
    %dma_wait3A_484 = arith.constant 0 : i32
    %dma_wait3A_485 = tpu.memref_slice %arg6[%dma_wait3A_482, %dma_wait3A_483, %dma_wait3A_484] : memref<32x128x8xf32, #tpu.memory_space<vmem>> -> memref<1x128x8xf32, #tpu.memory_space<vmem>>
    %dma_wait3A_486 = tpu.memref_squeeze %dma_wait3A_485 : memref<1x128x8xf32, #tpu.memory_space<vmem>> -> memref<128x8xf32, #tpu.memory_space<vmem>>
    %dma_wait3A_487 = arith.constant 0 : i32
    %dma_wait3A_488 = tpu.memref_slice %arg5[%dma_wait3A_481, %dma_wait3A_487] : memref<32x128xi32, #tpu.memory_space<vmem>> -> memref<1x128xi32, #tpu.memory_space<vmem>>
    %dma_wait3A_489 = tpu.memref_squeeze %dma_wait3A_488 : memref<1x128xi32, #tpu.memory_space<vmem>> -> memref<128xi32, #tpu.memory_space<vmem>>
    %dma_wait3A_490 = arith.constant 0 : i32
    %dma_wait3A_491 = arith.constant 0 : i32
    %dma_wait3A_492 = tpu.memref_slice %arg2[%dma_wait3A_490, %dma_wait3A_491] : memref<65536x8xf32, #tpu.memory_space<hbm>> -> memref<65536x8xf32, #tpu.memory_space<hbm>>
    tpu.wait_indirect_dma semaphore(%arg7 : memref<!tpu.dma_semaphore, #tpu.memory_space<semaphore_mem>>) src(%dma_wait3A_492 : memref<65536x8xf32, #tpu.memory_space<hbm>>) dst(%dma_wait3A_486 : memref<128x8xf32, #tpu.memory_space<vmem>>)
    %dma_wait3A_493 = arith.constant 9 : i32
    %dma_wait3A_494 = arith.constant 9 : i32
    %dma_wait3A_495 = arith.constant 0 : i32
    %dma_wait3A_496 = arith.constant 0 : i32
    %dma_wait3A_497 = tpu.memref_slice %arg6[%dma_wait3A_494, %dma_wait3A_495, %dma_wait3A_496] : memref<32x128x8xf32, #tpu.memory_space<vmem>> -> memref<1x128x8xf32, #tpu.memory_space<vmem>>
    %dma_wait3A_498 = tpu.memref_squeeze %dma_wait3A_497 : memref<1x128x8xf32, #tpu.memory_space<vmem>> -> memref<128x8xf32, #tpu.memory_space<vmem>>
    %dma_wait3A_499 = arith.constant 0 : i32
    %dma_wait3A_500 = tpu.memref_slice %arg5[%dma_wait3A_493, %dma_wait3A_499] : memref<32x128xi32, #tpu.memory_space<vmem>> -> memref<1x128xi32, #tpu.memory_space<vmem>>
    %dma_wait3A_501 = tpu.memref_squeeze %dma_wait3A_500 : memref<1x128xi32, #tpu.memory_space<vmem>> -> memref<128xi32, #tpu.memory_space<vmem>>
    %dma_wait3A_502 = arith.constant 0 : i32
    %dma_wait3A_503 = arith.constant 0 : i32
    %dma_wait3A_504 = tpu.memref_slice %arg2[%dma_wait3A_502, %dma_wait3A_503] : memref<65536x8xf32, #tpu.memory_space<hbm>> -> memref<65536x8xf32, #tpu.memory_space<hbm>>
    tpu.wait_indirect_dma semaphore(%arg7 : memref<!tpu.dma_semaphore, #tpu.memory_space<semaphore_mem>>) src(%dma_wait3A_504 : memref<65536x8xf32, #tpu.memory_space<hbm>>) dst(%dma_wait3A_498 : memref<128x8xf32, #tpu.memory_space<vmem>>)
    %dma_wait3A_505 = arith.constant 10 : i32
    %dma_wait3A_506 = arith.constant 10 : i32
    %dma_wait3A_507 = arith.constant 0 : i32
    %dma_wait3A_508 = arith.constant 0 : i32
    %dma_wait3A_509 = tpu.memref_slice %arg6[%dma_wait3A_506, %dma_wait3A_507, %dma_wait3A_508] : memref<32x128x8xf32, #tpu.memory_space<vmem>> -> memref<1x128x8xf32, #tpu.memory_space<vmem>>
    %dma_wait3A_510 = tpu.memref_squeeze %dma_wait3A_509 : memref<1x128x8xf32, #tpu.memory_space<vmem>> -> memref<128x8xf32, #tpu.memory_space<vmem>>
    %dma_wait3A_511 = arith.constant 0 : i32
    %dma_wait3A_512 = tpu.memref_slice %arg5[%dma_wait3A_505, %dma_wait3A_511] : memref<32x128xi32, #tpu.memory_space<vmem>> -> memref<1x128xi32, #tpu.memory_space<vmem>>
    %dma_wait3A_513 = tpu.memref_squeeze %dma_wait3A_512 : memref<1x128xi32, #tpu.memory_space<vmem>> -> memref<128xi32, #tpu.memory_space<vmem>>
    %dma_wait3A_514 = arith.constant 0 : i32
    %dma_wait3A_515 = arith.constant 0 : i32
    %dma_wait3A_516 = tpu.memref_slice %arg2[%dma_wait3A_514, %dma_wait3A_515] : memref<65536x8xf32, #tpu.memory_space<hbm>> -> memref<65536x8xf32, #tpu.memory_space<hbm>>
    tpu.wait_indirect_dma semaphore(%arg7 : memref<!tpu.dma_semaphore, #tpu.memory_space<semaphore_mem>>) src(%dma_wait3A_516 : memref<65536x8xf32, #tpu.memory_space<hbm>>) dst(%dma_wait3A_510 : memref<128x8xf32, #tpu.memory_space<vmem>>)
    %dma_wait3A_517 = arith.constant 11 : i32
    %dma_wait3A_518 = arith.constant 11 : i32
    %dma_wait3A_519 = arith.constant 0 : i32
    %dma_wait3A_520 = arith.constant 0 : i32
    %dma_wait3A_521 = tpu.memref_slice %arg6[%dma_wait3A_518, %dma_wait3A_519, %dma_wait3A_520] : memref<32x128x8xf32, #tpu.memory_space<vmem>> -> memref<1x128x8xf32, #tpu.memory_space<vmem>>
    %dma_wait3A_522 = tpu.memref_squeeze %dma_wait3A_521 : memref<1x128x8xf32, #tpu.memory_space<vmem>> -> memref<128x8xf32, #tpu.memory_space<vmem>>
    %dma_wait3A_523 = arith.constant 0 : i32
    %dma_wait3A_524 = tpu.memref_slice %arg5[%dma_wait3A_517, %dma_wait3A_523] : memref<32x128xi32, #tpu.memory_space<vmem>> -> memref<1x128xi32, #tpu.memory_space<vmem>>
    %dma_wait3A_525 = tpu.memref_squeeze %dma_wait3A_524 : memref<1x128xi32, #tpu.memory_space<vmem>> -> memref<128xi32, #tpu.memory_space<vmem>>
    %dma_wait3A_526 = arith.constant 0 : i32
    %dma_wait3A_527 = arith.constant 0 : i32
    %dma_wait3A_528 = tpu.memref_slice %arg2[%dma_wait3A_526, %dma_wait3A_527] : memref<65536x8xf32, #tpu.memory_space<hbm>> -> memref<65536x8xf32, #tpu.memory_space<hbm>>
    tpu.wait_indirect_dma semaphore(%arg7 : memref<!tpu.dma_semaphore, #tpu.memory_space<semaphore_mem>>) src(%dma_wait3A_528 : memref<65536x8xf32, #tpu.memory_space<hbm>>) dst(%dma_wait3A_522 : memref<128x8xf32, #tpu.memory_space<vmem>>)
    %dma_wait3A_529 = arith.constant 12 : i32
    %dma_wait3A_530 = arith.constant 12 : i32
    %dma_wait3A_531 = arith.constant 0 : i32
    %dma_wait3A_532 = arith.constant 0 : i32
    %dma_wait3A_533 = tpu.memref_slice %arg6[%dma_wait3A_530, %dma_wait3A_531, %dma_wait3A_532] : memref<32x128x8xf32, #tpu.memory_space<vmem>> -> memref<1x128x8xf32, #tpu.memory_space<vmem>>
    %dma_wait3A_534 = tpu.memref_squeeze %dma_wait3A_533 : memref<1x128x8xf32, #tpu.memory_space<vmem>> -> memref<128x8xf32, #tpu.memory_space<vmem>>
    %dma_wait3A_535 = arith.constant 0 : i32
    %dma_wait3A_536 = tpu.memref_slice %arg5[%dma_wait3A_529, %dma_wait3A_535] : memref<32x128xi32, #tpu.memory_space<vmem>> -> memref<1x128xi32, #tpu.memory_space<vmem>>
    %dma_wait3A_537 = tpu.memref_squeeze %dma_wait3A_536 : memref<1x128xi32, #tpu.memory_space<vmem>> -> memref<128xi32, #tpu.memory_space<vmem>>
    %dma_wait3A_538 = arith.constant 0 : i32
    %dma_wait3A_539 = arith.constant 0 : i32
    %dma_wait3A_540 = tpu.memref_slice %arg2[%dma_wait3A_538, %dma_wait3A_539] : memref<65536x8xf32, #tpu.memory_space<hbm>> -> memref<65536x8xf32, #tpu.memory_space<hbm>>
    tpu.wait_indirect_dma semaphore(%arg7 : memref<!tpu.dma_semaphore, #tpu.memory_space<semaphore_mem>>) src(%dma_wait3A_540 : memref<65536x8xf32, #tpu.memory_space<hbm>>) dst(%dma_wait3A_534 : memref<128x8xf32, #tpu.memory_space<vmem>>)
    %dma_wait3A_541 = arith.constant 13 : i32
    %dma_wait3A_542 = arith.constant 13 : i32
    %dma_wait3A_543 = arith.constant 0 : i32
    %dma_wait3A_544 = arith.constant 0 : i32
    %dma_wait3A_545 = tpu.memref_slice %arg6[%dma_wait3A_542, %dma_wait3A_543, %dma_wait3A_544] : memref<32x128x8xf32, #tpu.memory_space<vmem>> -> memref<1x128x8xf32, #tpu.memory_space<vmem>>
    %dma_wait3A_546 = tpu.memref_squeeze %dma_wait3A_545 : memref<1x128x8xf32, #tpu.memory_space<vmem>> -> memref<128x8xf32, #tpu.memory_space<vmem>>
    %dma_wait3A_547 = arith.constant 0 : i32
    %dma_wait3A_548 = tpu.memref_slice %arg5[%dma_wait3A_541, %dma_wait3A_547] : memref<32x128xi32, #tpu.memory_space<vmem>> -> memref<1x128xi32, #tpu.memory_space<vmem>>
    %dma_wait3A_549 = tpu.memref_squeeze %dma_wait3A_548 : memref<1x128xi32, #tpu.memory_space<vmem>> -> memref<128xi32, #tpu.memory_space<vmem>>
    %dma_wait3A_550 = arith.constant 0 : i32
    %dma_wait3A_551 = arith.constant 0 : i32
    %dma_wait3A_552 = tpu.memref_slice %arg2[%dma_wait3A_550, %dma_wait3A_551] : memref<65536x8xf32, #tpu.memory_space<hbm>> -> memref<65536x8xf32, #tpu.memory_space<hbm>>
    tpu.wait_indirect_dma semaphore(%arg7 : memref<!tpu.dma_semaphore, #tpu.memory_space<semaphore_mem>>) src(%dma_wait3A_552 : memref<65536x8xf32, #tpu.memory_space<hbm>>) dst(%dma_wait3A_546 : memref<128x8xf32, #tpu.memory_space<vmem>>)
    %dma_wait3A_553 = arith.constant 14 : i32
    %dma_wait3A_554 = arith.constant 14 : i32
    %dma_wait3A_555 = arith.constant 0 : i32
    %dma_wait3A_556 = arith.constant 0 : i32
    %dma_wait3A_557 = tpu.memref_slice %arg6[%dma_wait3A_554, %dma_wait3A_555, %dma_wait3A_556] : memref<32x128x8xf32, #tpu.memory_space<vmem>> -> memref<1x128x8xf32, #tpu.memory_space<vmem>>
    %dma_wait3A_558 = tpu.memref_squeeze %dma_wait3A_557 : memref<1x128x8xf32, #tpu.memory_space<vmem>> -> memref<128x8xf32, #tpu.memory_space<vmem>>
    %dma_wait3A_559 = arith.constant 0 : i32
    %dma_wait3A_560 = tpu.memref_slice %arg5[%dma_wait3A_553, %dma_wait3A_559] : memref<32x128xi32, #tpu.memory_space<vmem>> -> memref<1x128xi32, #tpu.memory_space<vmem>>
    %dma_wait3A_561 = tpu.memref_squeeze %dma_wait3A_560 : memref<1x128xi32, #tpu.memory_space<vmem>> -> memref<128xi32, #tpu.memory_space<vmem>>
    %dma_wait3A_562 = arith.constant 0 : i32
    %dma_wait3A_563 = arith.constant 0 : i32
    %dma_wait3A_564 = tpu.memref_slice %arg2[%dma_wait3A_562, %dma_wait3A_563] : memref<65536x8xf32, #tpu.memory_space<hbm>> -> memref<65536x8xf32, #tpu.memory_space<hbm>>
    tpu.wait_indirect_dma semaphore(%arg7 : memref<!tpu.dma_semaphore, #tpu.memory_space<semaphore_mem>>) src(%dma_wait3A_564 : memref<65536x8xf32, #tpu.memory_space<hbm>>) dst(%dma_wait3A_558 : memref<128x8xf32, #tpu.memory_space<vmem>>)
    %dma_wait3A_565 = arith.constant 15 : i32
    %dma_wait3A_566 = arith.constant 15 : i32
    %dma_wait3A_567 = arith.constant 0 : i32
    %dma_wait3A_568 = arith.constant 0 : i32
    %dma_wait3A_569 = tpu.memref_slice %arg6[%dma_wait3A_566, %dma_wait3A_567, %dma_wait3A_568] : memref<32x128x8xf32, #tpu.memory_space<vmem>> -> memref<1x128x8xf32, #tpu.memory_space<vmem>>
    %dma_wait3A_570 = tpu.memref_squeeze %dma_wait3A_569 : memref<1x128x8xf32, #tpu.memory_space<vmem>> -> memref<128x8xf32, #tpu.memory_space<vmem>>
    %dma_wait3A_571 = arith.constant 0 : i32
    %dma_wait3A_572 = tpu.memref_slice %arg5[%dma_wait3A_565, %dma_wait3A_571] : memref<32x128xi32, #tpu.memory_space<vmem>> -> memref<1x128xi32, #tpu.memory_space<vmem>>
    %dma_wait3A_573 = tpu.memref_squeeze %dma_wait3A_572 : memref<1x128xi32, #tpu.memory_space<vmem>> -> memref<128xi32, #tpu.memory_space<vmem>>
    %dma_wait3A_574 = arith.constant 0 : i32
    %dma_wait3A_575 = arith.constant 0 : i32
    %dma_wait3A_576 = tpu.memref_slice %arg2[%dma_wait3A_574, %dma_wait3A_575] : memref<65536x8xf32, #tpu.memory_space<hbm>> -> memref<65536x8xf32, #tpu.memory_space<hbm>>
    tpu.wait_indirect_dma semaphore(%arg7 : memref<!tpu.dma_semaphore, #tpu.memory_space<semaphore_mem>>) src(%dma_wait3A_576 : memref<65536x8xf32, #tpu.memory_space<hbm>>) dst(%dma_wait3A_570 : memref<128x8xf32, #tpu.memory_space<vmem>>)
    %dma_wait3A_577 = arith.constant 16 : i32
    %dma_wait3A_578 = arith.constant 16 : i32
    %dma_wait3A_579 = arith.constant 0 : i32
    %dma_wait3A_580 = arith.constant 0 : i32
    %dma_wait3A_581 = tpu.memref_slice %arg6[%dma_wait3A_578, %dma_wait3A_579, %dma_wait3A_580] : memref<32x128x8xf32, #tpu.memory_space<vmem>> -> memref<1x128x8xf32, #tpu.memory_space<vmem>>
    %dma_wait3A_582 = tpu.memref_squeeze %dma_wait3A_581 : memref<1x128x8xf32, #tpu.memory_space<vmem>> -> memref<128x8xf32, #tpu.memory_space<vmem>>
    %dma_wait3A_583 = arith.constant 0 : i32
    %dma_wait3A_584 = tpu.memref_slice %arg5[%dma_wait3A_577, %dma_wait3A_583] : memref<32x128xi32, #tpu.memory_space<vmem>> -> memref<1x128xi32, #tpu.memory_space<vmem>>
    %dma_wait3A_585 = tpu.memref_squeeze %dma_wait3A_584 : memref<1x128xi32, #tpu.memory_space<vmem>> -> memref<128xi32, #tpu.memory_space<vmem>>
    %dma_wait3A_586 = arith.constant 0 : i32
    %dma_wait3A_587 = arith.constant 0 : i32
    %dma_wait3A_588 = tpu.memref_slice %arg2[%dma_wait3A_586, %dma_wait3A_587] : memref<65536x8xf32, #tpu.memory_space<hbm>> -> memref<65536x8xf32, #tpu.memory_space<hbm>>
    tpu.wait_indirect_dma semaphore(%arg7 : memref<!tpu.dma_semaphore, #tpu.memory_space<semaphore_mem>>) src(%dma_wait3A_588 : memref<65536x8xf32, #tpu.memory_space<hbm>>) dst(%dma_wait3A_582 : memref<128x8xf32, #tpu.memory_space<vmem>>)
    %dma_wait3A_589 = arith.constant 17 : i32
    %dma_wait3A_590 = arith.constant 17 : i32
    %dma_wait3A_591 = arith.constant 0 : i32
    %dma_wait3A_592 = arith.constant 0 : i32
    %dma_wait3A_593 = tpu.memref_slice %arg6[%dma_wait3A_590, %dma_wait3A_591, %dma_wait3A_592] : memref<32x128x8xf32, #tpu.memory_space<vmem>> -> memref<1x128x8xf32, #tpu.memory_space<vmem>>
    %dma_wait3A_594 = tpu.memref_squeeze %dma_wait3A_593 : memref<1x128x8xf32, #tpu.memory_space<vmem>> -> memref<128x8xf32, #tpu.memory_space<vmem>>
    %dma_wait3A_595 = arith.constant 0 : i32
    %dma_wait3A_596 = tpu.memref_slice %arg5[%dma_wait3A_589, %dma_wait3A_595] : memref<32x128xi32, #tpu.memory_space<vmem>> -> memref<1x128xi32, #tpu.memory_space<vmem>>
    %dma_wait3A_597 = tpu.memref_squeeze %dma_wait3A_596 : memref<1x128xi32, #tpu.memory_space<vmem>> -> memref<128xi32, #tpu.memory_space<vmem>>
    %dma_wait3A_598 = arith.constant 0 : i32
    %dma_wait3A_599 = arith.constant 0 : i32
    %dma_wait3A_600 = tpu.memref_slice %arg2[%dma_wait3A_598, %dma_wait3A_599] : memref<65536x8xf32, #tpu.memory_space<hbm>> -> memref<65536x8xf32, #tpu.memory_space<hbm>>
    tpu.wait_indirect_dma semaphore(%arg7 : memref<!tpu.dma_semaphore, #tpu.memory_space<semaphore_mem>>) src(%dma_wait3A_600 : memref<65536x8xf32, #tpu.memory_space<hbm>>) dst(%dma_wait3A_594 : memref<128x8xf32, #tpu.memory_space<vmem>>)
    %dma_wait3A_601 = arith.constant 18 : i32
    %dma_wait3A_602 = arith.constant 18 : i32
    %dma_wait3A_603 = arith.constant 0 : i32
    %dma_wait3A_604 = arith.constant 0 : i32
    %dma_wait3A_605 = tpu.memref_slice %arg6[%dma_wait3A_602, %dma_wait3A_603, %dma_wait3A_604] : memref<32x128x8xf32, #tpu.memory_space<vmem>> -> memref<1x128x8xf32, #tpu.memory_space<vmem>>
    %dma_wait3A_606 = tpu.memref_squeeze %dma_wait3A_605 : memref<1x128x8xf32, #tpu.memory_space<vmem>> -> memref<128x8xf32, #tpu.memory_space<vmem>>
    %dma_wait3A_607 = arith.constant 0 : i32
    %dma_wait3A_608 = tpu.memref_slice %arg5[%dma_wait3A_601, %dma_wait3A_607] : memref<32x128xi32, #tpu.memory_space<vmem>> -> memref<1x128xi32, #tpu.memory_space<vmem>>
    %dma_wait3A_609 = tpu.memref_squeeze %dma_wait3A_608 : memref<1x128xi32, #tpu.memory_space<vmem>> -> memref<128xi32, #tpu.memory_space<vmem>>
    %dma_wait3A_610 = arith.constant 0 : i32
    %dma_wait3A_611 = arith.constant 0 : i32
    %dma_wait3A_612 = tpu.memref_slice %arg2[%dma_wait3A_610, %dma_wait3A_611] : memref<65536x8xf32, #tpu.memory_space<hbm>> -> memref<65536x8xf32, #tpu.memory_space<hbm>>
    tpu.wait_indirect_dma semaphore(%arg7 : memref<!tpu.dma_semaphore, #tpu.memory_space<semaphore_mem>>) src(%dma_wait3A_612 : memref<65536x8xf32, #tpu.memory_space<hbm>>) dst(%dma_wait3A_606 : memref<128x8xf32, #tpu.memory_space<vmem>>)
    %dma_wait3A_613 = arith.constant 19 : i32
    %dma_wait3A_614 = arith.constant 19 : i32
    %dma_wait3A_615 = arith.constant 0 : i32
    %dma_wait3A_616 = arith.constant 0 : i32
    %dma_wait3A_617 = tpu.memref_slice %arg6[%dma_wait3A_614, %dma_wait3A_615, %dma_wait3A_616] : memref<32x128x8xf32, #tpu.memory_space<vmem>> -> memref<1x128x8xf32, #tpu.memory_space<vmem>>
    %dma_wait3A_618 = tpu.memref_squeeze %dma_wait3A_617 : memref<1x128x8xf32, #tpu.memory_space<vmem>> -> memref<128x8xf32, #tpu.memory_space<vmem>>
    %dma_wait3A_619 = arith.constant 0 : i32
    %dma_wait3A_620 = tpu.memref_slice %arg5[%dma_wait3A_613, %dma_wait3A_619] : memref<32x128xi32, #tpu.memory_space<vmem>> -> memref<1x128xi32, #tpu.memory_space<vmem>>
    %dma_wait3A_621 = tpu.memref_squeeze %dma_wait3A_620 : memref<1x128xi32, #tpu.memory_space<vmem>> -> memref<128xi32, #tpu.memory_space<vmem>>
    %dma_wait3A_622 = arith.constant 0 : i32
    %dma_wait3A_623 = arith.constant 0 : i32
    %dma_wait3A_624 = tpu.memref_slice %arg2[%dma_wait3A_622, %dma_wait3A_623] : memref<65536x8xf32, #tpu.memory_space<hbm>> -> memref<65536x8xf32, #tpu.memory_space<hbm>>
    tpu.wait_indirect_dma semaphore(%arg7 : memref<!tpu.dma_semaphore, #tpu.memory_space<semaphore_mem>>) src(%dma_wait3A_624 : memref<65536x8xf32, #tpu.memory_space<hbm>>) dst(%dma_wait3A_618 : memref<128x8xf32, #tpu.memory_space<vmem>>)
    %dma_wait3A_625 = arith.constant 20 : i32
    %dma_wait3A_626 = arith.constant 20 : i32
    %dma_wait3A_627 = arith.constant 0 : i32
    %dma_wait3A_628 = arith.constant 0 : i32
    %dma_wait3A_629 = tpu.memref_slice %arg6[%dma_wait3A_626, %dma_wait3A_627, %dma_wait3A_628] : memref<32x128x8xf32, #tpu.memory_space<vmem>> -> memref<1x128x8xf32, #tpu.memory_space<vmem>>
    %dma_wait3A_630 = tpu.memref_squeeze %dma_wait3A_629 : memref<1x128x8xf32, #tpu.memory_space<vmem>> -> memref<128x8xf32, #tpu.memory_space<vmem>>
    %dma_wait3A_631 = arith.constant 0 : i32
    %dma_wait3A_632 = tpu.memref_slice %arg5[%dma_wait3A_625, %dma_wait3A_631] : memref<32x128xi32, #tpu.memory_space<vmem>> -> memref<1x128xi32, #tpu.memory_space<vmem>>
    %dma_wait3A_633 = tpu.memref_squeeze %dma_wait3A_632 : memref<1x128xi32, #tpu.memory_space<vmem>> -> memref<128xi32, #tpu.memory_space<vmem>>
    %dma_wait3A_634 = arith.constant 0 : i32
    %dma_wait3A_635 = arith.constant 0 : i32
    %dma_wait3A_636 = tpu.memref_slice %arg2[%dma_wait3A_634, %dma_wait3A_635] : memref<65536x8xf32, #tpu.memory_space<hbm>> -> memref<65536x8xf32, #tpu.memory_space<hbm>>
    tpu.wait_indirect_dma semaphore(%arg7 : memref<!tpu.dma_semaphore, #tpu.memory_space<semaphore_mem>>) src(%dma_wait3A_636 : memref<65536x8xf32, #tpu.memory_space<hbm>>) dst(%dma_wait3A_630 : memref<128x8xf32, #tpu.memory_space<vmem>>)
    %dma_wait3A_637 = arith.constant 21 : i32
    %dma_wait3A_638 = arith.constant 21 : i32
    %dma_wait3A_639 = arith.constant 0 : i32
    %dma_wait3A_640 = arith.constant 0 : i32
    %dma_wait3A_641 = tpu.memref_slice %arg6[%dma_wait3A_638, %dma_wait3A_639, %dma_wait3A_640] : memref<32x128x8xf32, #tpu.memory_space<vmem>> -> memref<1x128x8xf32, #tpu.memory_space<vmem>>
    %dma_wait3A_642 = tpu.memref_squeeze %dma_wait3A_641 : memref<1x128x8xf32, #tpu.memory_space<vmem>> -> memref<128x8xf32, #tpu.memory_space<vmem>>
    %dma_wait3A_643 = arith.constant 0 : i32
    %dma_wait3A_644 = tpu.memref_slice %arg5[%dma_wait3A_637, %dma_wait3A_643] : memref<32x128xi32, #tpu.memory_space<vmem>> -> memref<1x128xi32, #tpu.memory_space<vmem>>
    %dma_wait3A_645 = tpu.memref_squeeze %dma_wait3A_644 : memref<1x128xi32, #tpu.memory_space<vmem>> -> memref<128xi32, #tpu.memory_space<vmem>>
    %dma_wait3A_646 = arith.constant 0 : i32
    %dma_wait3A_647 = arith.constant 0 : i32
    %dma_wait3A_648 = tpu.memref_slice %arg2[%dma_wait3A_646, %dma_wait3A_647] : memref<65536x8xf32, #tpu.memory_space<hbm>> -> memref<65536x8xf32, #tpu.memory_space<hbm>>
    tpu.wait_indirect_dma semaphore(%arg7 : memref<!tpu.dma_semaphore, #tpu.memory_space<semaphore_mem>>) src(%dma_wait3A_648 : memref<65536x8xf32, #tpu.memory_space<hbm>>) dst(%dma_wait3A_642 : memref<128x8xf32, #tpu.memory_space<vmem>>)
    %dma_wait3A_649 = arith.constant 22 : i32
    %dma_wait3A_650 = arith.constant 22 : i32
    %dma_wait3A_651 = arith.constant 0 : i32
    %dma_wait3A_652 = arith.constant 0 : i32
    %dma_wait3A_653 = tpu.memref_slice %arg6[%dma_wait3A_650, %dma_wait3A_651, %dma_wait3A_652] : memref<32x128x8xf32, #tpu.memory_space<vmem>> -> memref<1x128x8xf32, #tpu.memory_space<vmem>>
    %dma_wait3A_654 = tpu.memref_squeeze %dma_wait3A_653 : memref<1x128x8xf32, #tpu.memory_space<vmem>> -> memref<128x8xf32, #tpu.memory_space<vmem>>
    %dma_wait3A_655 = arith.constant 0 : i32
    %dma_wait3A_656 = tpu.memref_slice %arg5[%dma_wait3A_649, %dma_wait3A_655] : memref<32x128xi32, #tpu.memory_space<vmem>> -> memref<1x128xi32, #tpu.memory_space<vmem>>
    %dma_wait3A_657 = tpu.memref_squeeze %dma_wait3A_656 : memref<1x128xi32, #tpu.memory_space<vmem>> -> memref<128xi32, #tpu.memory_space<vmem>>
    %dma_wait3A_658 = arith.constant 0 : i32
    %dma_wait3A_659 = arith.constant 0 : i32
    %dma_wait3A_660 = tpu.memref_slice %arg2[%dma_wait3A_658, %dma_wait3A_659] : memref<65536x8xf32, #tpu.memory_space<hbm>> -> memref<65536x8xf32, #tpu.memory_space<hbm>>
    tpu.wait_indirect_dma semaphore(%arg7 : memref<!tpu.dma_semaphore, #tpu.memory_space<semaphore_mem>>) src(%dma_wait3A_660 : memref<65536x8xf32, #tpu.memory_space<hbm>>) dst(%dma_wait3A_654 : memref<128x8xf32, #tpu.memory_space<vmem>>)
    %dma_wait3A_661 = arith.constant 23 : i32
    %dma_wait3A_662 = arith.constant 23 : i32
    %dma_wait3A_663 = arith.constant 0 : i32
    %dma_wait3A_664 = arith.constant 0 : i32
    %dma_wait3A_665 = tpu.memref_slice %arg6[%dma_wait3A_662, %dma_wait3A_663, %dma_wait3A_664] : memref<32x128x8xf32, #tpu.memory_space<vmem>> -> memref<1x128x8xf32, #tpu.memory_space<vmem>>
    %dma_wait3A_666 = tpu.memref_squeeze %dma_wait3A_665 : memref<1x128x8xf32, #tpu.memory_space<vmem>> -> memref<128x8xf32, #tpu.memory_space<vmem>>
    %dma_wait3A_667 = arith.constant 0 : i32
    %dma_wait3A_668 = tpu.memref_slice %arg5[%dma_wait3A_661, %dma_wait3A_667] : memref<32x128xi32, #tpu.memory_space<vmem>> -> memref<1x128xi32, #tpu.memory_space<vmem>>
    %dma_wait3A_669 = tpu.memref_squeeze %dma_wait3A_668 : memref<1x128xi32, #tpu.memory_space<vmem>> -> memref<128xi32, #tpu.memory_space<vmem>>
    %dma_wait3A_670 = arith.constant 0 : i32
    %dma_wait3A_671 = arith.constant 0 : i32
    %dma_wait3A_672 = tpu.memref_slice %arg2[%dma_wait3A_670, %dma_wait3A_671] : memref<65536x8xf32, #tpu.memory_space<hbm>> -> memref<65536x8xf32, #tpu.memory_space<hbm>>
    tpu.wait_indirect_dma semaphore(%arg7 : memref<!tpu.dma_semaphore, #tpu.memory_space<semaphore_mem>>) src(%dma_wait3A_672 : memref<65536x8xf32, #tpu.memory_space<hbm>>) dst(%dma_wait3A_666 : memref<128x8xf32, #tpu.memory_space<vmem>>)
    %dma_wait3A_673 = arith.constant 24 : i32
    %dma_wait3A_674 = arith.constant 24 : i32
    %dma_wait3A_675 = arith.constant 0 : i32
    %dma_wait3A_676 = arith.constant 0 : i32
    %dma_wait3A_677 = tpu.memref_slice %arg6[%dma_wait3A_674, %dma_wait3A_675, %dma_wait3A_676] : memref<32x128x8xf32, #tpu.memory_space<vmem>> -> memref<1x128x8xf32, #tpu.memory_space<vmem>>
    %dma_wait3A_678 = tpu.memref_squeeze %dma_wait3A_677 : memref<1x128x8xf32, #tpu.memory_space<vmem>> -> memref<128x8xf32, #tpu.memory_space<vmem>>
    %dma_wait3A_679 = arith.constant 0 : i32
    %dma_wait3A_680 = tpu.memref_slice %arg5[%dma_wait3A_673, %dma_wait3A_679] : memref<32x128xi32, #tpu.memory_space<vmem>> -> memref<1x128xi32, #tpu.memory_space<vmem>>
    %dma_wait3A_681 = tpu.memref_squeeze %dma_wait3A_680 : memref<1x128xi32, #tpu.memory_space<vmem>> -> memref<128xi32, #tpu.memory_space<vmem>>
    %dma_wait3A_682 = arith.constant 0 : i32
    %dma_wait3A_683 = arith.constant 0 : i32
    %dma_wait3A_684 = tpu.memref_slice %arg2[%dma_wait3A_682, %dma_wait3A_683] : memref<65536x8xf32, #tpu.memory_space<hbm>> -> memref<65536x8xf32, #tpu.memory_space<hbm>>
    tpu.wait_indirect_dma semaphore(%arg7 : memref<!tpu.dma_semaphore, #tpu.memory_space<semaphore_mem>>) src(%dma_wait3A_684 : memref<65536x8xf32, #tpu.memory_space<hbm>>) dst(%dma_wait3A_678 : memref<128x8xf32, #tpu.memory_space<vmem>>)
    %dma_wait3A_685 = arith.constant 25 : i32
    %dma_wait3A_686 = arith.constant 25 : i32
    %dma_wait3A_687 = arith.constant 0 : i32
    %dma_wait3A_688 = arith.constant 0 : i32
    %dma_wait3A_689 = tpu.memref_slice %arg6[%dma_wait3A_686, %dma_wait3A_687, %dma_wait3A_688] : memref<32x128x8xf32, #tpu.memory_space<vmem>> -> memref<1x128x8xf32, #tpu.memory_space<vmem>>
    %dma_wait3A_690 = tpu.memref_squeeze %dma_wait3A_689 : memref<1x128x8xf32, #tpu.memory_space<vmem>> -> memref<128x8xf32, #tpu.memory_space<vmem>>
    %dma_wait3A_691 = arith.constant 0 : i32
    %dma_wait3A_692 = tpu.memref_slice %arg5[%dma_wait3A_685, %dma_wait3A_691] : memref<32x128xi32, #tpu.memory_space<vmem>> -> memref<1x128xi32, #tpu.memory_space<vmem>>
    %dma_wait3A_693 = tpu.memref_squeeze %dma_wait3A_692 : memref<1x128xi32, #tpu.memory_space<vmem>> -> memref<128xi32, #tpu.memory_space<vmem>>
    %dma_wait3A_694 = arith.constant 0 : i32
    %dma_wait3A_695 = arith.constant 0 : i32
    %dma_wait3A_696 = tpu.memref_slice %arg2[%dma_wait3A_694, %dma_wait3A_695] : memref<65536x8xf32, #tpu.memory_space<hbm>> -> memref<65536x8xf32, #tpu.memory_space<hbm>>
    tpu.wait_indirect_dma semaphore(%arg7 : memref<!tpu.dma_semaphore, #tpu.memory_space<semaphore_mem>>) src(%dma_wait3A_696 : memref<65536x8xf32, #tpu.memory_space<hbm>>) dst(%dma_wait3A_690 : memref<128x8xf32, #tpu.memory_space<vmem>>)
    %dma_wait3A_697 = arith.constant 26 : i32
    %dma_wait3A_698 = arith.constant 26 : i32
    %dma_wait3A_699 = arith.constant 0 : i32
    %dma_wait3A_700 = arith.constant 0 : i32
    %dma_wait3A_701 = tpu.memref_slice %arg6[%dma_wait3A_698, %dma_wait3A_699, %dma_wait3A_700] : memref<32x128x8xf32, #tpu.memory_space<vmem>> -> memref<1x128x8xf32, #tpu.memory_space<vmem>>
    %dma_wait3A_702 = tpu.memref_squeeze %dma_wait3A_701 : memref<1x128x8xf32, #tpu.memory_space<vmem>> -> memref<128x8xf32, #tpu.memory_space<vmem>>
    %dma_wait3A_703 = arith.constant 0 : i32
    %dma_wait3A_704 = tpu.memref_slice %arg5[%dma_wait3A_697, %dma_wait3A_703] : memref<32x128xi32, #tpu.memory_space<vmem>> -> memref<1x128xi32, #tpu.memory_space<vmem>>
    %dma_wait3A_705 = tpu.memref_squeeze %dma_wait3A_704 : memref<1x128xi32, #tpu.memory_space<vmem>> -> memref<128xi32, #tpu.memory_space<vmem>>
    %dma_wait3A_706 = arith.constant 0 : i32
    %dma_wait3A_707 = arith.constant 0 : i32
    %dma_wait3A_708 = tpu.memref_slice %arg2[%dma_wait3A_706, %dma_wait3A_707] : memref<65536x8xf32, #tpu.memory_space<hbm>> -> memref<65536x8xf32, #tpu.memory_space<hbm>>
    tpu.wait_indirect_dma semaphore(%arg7 : memref<!tpu.dma_semaphore, #tpu.memory_space<semaphore_mem>>) src(%dma_wait3A_708 : memref<65536x8xf32, #tpu.memory_space<hbm>>) dst(%dma_wait3A_702 : memref<128x8xf32, #tpu.memory_space<vmem>>)
    %dma_wait3A_709 = arith.constant 27 : i32
    %dma_wait3A_710 = arith.constant 27 : i32
    %dma_wait3A_711 = arith.constant 0 : i32
    %dma_wait3A_712 = arith.constant 0 : i32
    %dma_wait3A_713 = tpu.memref_slice %arg6[%dma_wait3A_710, %dma_wait3A_711, %dma_wait3A_712] : memref<32x128x8xf32, #tpu.memory_space<vmem>> -> memref<1x128x8xf32, #tpu.memory_space<vmem>>
    %dma_wait3A_714 = tpu.memref_squeeze %dma_wait3A_713 : memref<1x128x8xf32, #tpu.memory_space<vmem>> -> memref<128x8xf32, #tpu.memory_space<vmem>>
    %dma_wait3A_715 = arith.constant 0 : i32
    %dma_wait3A_716 = tpu.memref_slice %arg5[%dma_wait3A_709, %dma_wait3A_715] : memref<32x128xi32, #tpu.memory_space<vmem>> -> memref<1x128xi32, #tpu.memory_space<vmem>>
    %dma_wait3A_717 = tpu.memref_squeeze %dma_wait3A_716 : memref<1x128xi32, #tpu.memory_space<vmem>> -> memref<128xi32, #tpu.memory_space<vmem>>
    %dma_wait3A_718 = arith.constant 0 : i32
    %dma_wait3A_719 = arith.constant 0 : i32
    %dma_wait3A_720 = tpu.memref_slice %arg2[%dma_wait3A_718, %dma_wait3A_719] : memref<65536x8xf32, #tpu.memory_space<hbm>> -> memref<65536x8xf32, #tpu.memory_space<hbm>>
    tpu.wait_indirect_dma semaphore(%arg7 : memref<!tpu.dma_semaphore, #tpu.memory_space<semaphore_mem>>) src(%dma_wait3A_720 : memref<65536x8xf32, #tpu.memory_space<hbm>>) dst(%dma_wait3A_714 : memref<128x8xf32, #tpu.memory_space<vmem>>)
    %dma_wait3A_721 = arith.constant 28 : i32
    %dma_wait3A_722 = arith.constant 28 : i32
    %dma_wait3A_723 = arith.constant 0 : i32
    %dma_wait3A_724 = arith.constant 0 : i32
    %dma_wait3A_725 = tpu.memref_slice %arg6[%dma_wait3A_722, %dma_wait3A_723, %dma_wait3A_724] : memref<32x128x8xf32, #tpu.memory_space<vmem>> -> memref<1x128x8xf32, #tpu.memory_space<vmem>>
    %dma_wait3A_726 = tpu.memref_squeeze %dma_wait3A_725 : memref<1x128x8xf32, #tpu.memory_space<vmem>> -> memref<128x8xf32, #tpu.memory_space<vmem>>
    %dma_wait3A_727 = arith.constant 0 : i32
    %dma_wait3A_728 = tpu.memref_slice %arg5[%dma_wait3A_721, %dma_wait3A_727] : memref<32x128xi32, #tpu.memory_space<vmem>> -> memref<1x128xi32, #tpu.memory_space<vmem>>
    %dma_wait3A_729 = tpu.memref_squeeze %dma_wait3A_728 : memref<1x128xi32, #tpu.memory_space<vmem>> -> memref<128xi32, #tpu.memory_space<vmem>>
    %dma_wait3A_730 = arith.constant 0 : i32
    %dma_wait3A_731 = arith.constant 0 : i32
    %dma_wait3A_732 = tpu.memref_slice %arg2[%dma_wait3A_730, %dma_wait3A_731] : memref<65536x8xf32, #tpu.memory_space<hbm>> -> memref<65536x8xf32, #tpu.memory_space<hbm>>
    tpu.wait_indirect_dma semaphore(%arg7 : memref<!tpu.dma_semaphore, #tpu.memory_space<semaphore_mem>>) src(%dma_wait3A_732 : memref<65536x8xf32, #tpu.memory_space<hbm>>) dst(%dma_wait3A_726 : memref<128x8xf32, #tpu.memory_space<vmem>>)
    %dma_wait3A_733 = arith.constant 29 : i32
    %dma_wait3A_734 = arith.constant 29 : i32
    %dma_wait3A_735 = arith.constant 0 : i32
    %dma_wait3A_736 = arith.constant 0 : i32
    %dma_wait3A_737 = tpu.memref_slice %arg6[%dma_wait3A_734, %dma_wait3A_735, %dma_wait3A_736] : memref<32x128x8xf32, #tpu.memory_space<vmem>> -> memref<1x128x8xf32, #tpu.memory_space<vmem>>
    %dma_wait3A_738 = tpu.memref_squeeze %dma_wait3A_737 : memref<1x128x8xf32, #tpu.memory_space<vmem>> -> memref<128x8xf32, #tpu.memory_space<vmem>>
    %dma_wait3A_739 = arith.constant 0 : i32
    %dma_wait3A_740 = tpu.memref_slice %arg5[%dma_wait3A_733, %dma_wait3A_739] : memref<32x128xi32, #tpu.memory_space<vmem>> -> memref<1x128xi32, #tpu.memory_space<vmem>>
    %dma_wait3A_741 = tpu.memref_squeeze %dma_wait3A_740 : memref<1x128xi32, #tpu.memory_space<vmem>> -> memref<128xi32, #tpu.memory_space<vmem>>
    %dma_wait3A_742 = arith.constant 0 : i32
    %dma_wait3A_743 = arith.constant 0 : i32
    %dma_wait3A_744 = tpu.memref_slice %arg2[%dma_wait3A_742, %dma_wait3A_743] : memref<65536x8xf32, #tpu.memory_space<hbm>> -> memref<65536x8xf32, #tpu.memory_space<hbm>>
    tpu.wait_indirect_dma semaphore(%arg7 : memref<!tpu.dma_semaphore, #tpu.memory_space<semaphore_mem>>) src(%dma_wait3A_744 : memref<65536x8xf32, #tpu.memory_space<hbm>>) dst(%dma_wait3A_738 : memref<128x8xf32, #tpu.memory_space<vmem>>)
    %dma_wait3A_745 = arith.constant 30 : i32
    %dma_wait3A_746 = arith.constant 30 : i32
    %dma_wait3A_747 = arith.constant 0 : i32
    %dma_wait3A_748 = arith.constant 0 : i32
    %dma_wait3A_749 = tpu.memref_slice %arg6[%dma_wait3A_746, %dma_wait3A_747, %dma_wait3A_748] : memref<32x128x8xf32, #tpu.memory_space<vmem>> -> memref<1x128x8xf32, #tpu.memory_space<vmem>>
    %dma_wait3A_750 = tpu.memref_squeeze %dma_wait3A_749 : memref<1x128x8xf32, #tpu.memory_space<vmem>> -> memref<128x8xf32, #tpu.memory_space<vmem>>
    %dma_wait3A_751 = arith.constant 0 : i32
    %dma_wait3A_752 = tpu.memref_slice %arg5[%dma_wait3A_745, %dma_wait3A_751] : memref<32x128xi32, #tpu.memory_space<vmem>> -> memref<1x128xi32, #tpu.memory_space<vmem>>
    %dma_wait3A_753 = tpu.memref_squeeze %dma_wait3A_752 : memref<1x128xi32, #tpu.memory_space<vmem>> -> memref<128xi32, #tpu.memory_space<vmem>>
    %dma_wait3A_754 = arith.constant 0 : i32
    %dma_wait3A_755 = arith.constant 0 : i32
    %dma_wait3A_756 = tpu.memref_slice %arg2[%dma_wait3A_754, %dma_wait3A_755] : memref<65536x8xf32, #tpu.memory_space<hbm>> -> memref<65536x8xf32, #tpu.memory_space<hbm>>
    tpu.wait_indirect_dma semaphore(%arg7 : memref<!tpu.dma_semaphore, #tpu.memory_space<semaphore_mem>>) src(%dma_wait3A_756 : memref<65536x8xf32, #tpu.memory_space<hbm>>) dst(%dma_wait3A_750 : memref<128x8xf32, #tpu.memory_space<vmem>>)
    %dma_wait3A_757 = arith.constant 31 : i32
    %dma_wait3A_758 = arith.constant 31 : i32
    %dma_wait3A_759 = arith.constant 0 : i32
    %dma_wait3A_760 = arith.constant 0 : i32
    %dma_wait3A_761 = tpu.memref_slice %arg6[%dma_wait3A_758, %dma_wait3A_759, %dma_wait3A_760] : memref<32x128x8xf32, #tpu.memory_space<vmem>> -> memref<1x128x8xf32, #tpu.memory_space<vmem>>
    %dma_wait3A_762 = tpu.memref_squeeze %dma_wait3A_761 : memref<1x128x8xf32, #tpu.memory_space<vmem>> -> memref<128x8xf32, #tpu.memory_space<vmem>>
    %dma_wait3A_763 = arith.constant 0 : i32
    %dma_wait3A_764 = tpu.memref_slice %arg5[%dma_wait3A_757, %dma_wait3A_763] : memref<32x128xi32, #tpu.memory_space<vmem>> -> memref<1x128xi32, #tpu.memory_space<vmem>>
    %dma_wait3A_765 = tpu.memref_squeeze %dma_wait3A_764 : memref<1x128xi32, #tpu.memory_space<vmem>> -> memref<128xi32, #tpu.memory_space<vmem>>
    %dma_wait3A_766 = arith.constant 0 : i32
    %dma_wait3A_767 = arith.constant 0 : i32
    %dma_wait3A_768 = tpu.memref_slice %arg2[%dma_wait3A_766, %dma_wait3A_767] : memref<65536x8xf32, #tpu.memory_space<hbm>> -> memref<65536x8xf32, #tpu.memory_space<hbm>>
    tpu.wait_indirect_dma semaphore(%arg7 : memref<!tpu.dma_semaphore, #tpu.memory_space<semaphore_mem>>) src(%dma_wait3A_768 : memref<65536x8xf32, #tpu.memory_space<hbm>>) dst(%dma_wait3A_762 : memref<128x8xf32, #tpu.memory_space<vmem>>)
    %mul3A_769 = arith.constant 32 : i32
    %mul3A_770 = arith.muli %add3A, %mul3A_769 : i32
    "tpu.region"() ({
      %run_scoped3A = tpu.sem_alloc : memref<!tpu.dma_semaphore, #tpu.memory_space<semaphore_mem>>
      %dma_start3A_771 = arith.constant 0 : i32
      %dma_start3A_772 = arith.constant 0 : i32
      %dma_start3A_773 = tpu.memref_slice %arg4[%mul3A_770, %dma_start3A_771, %dma_start3A_772] : memref<1024x128x8xf32, #tpu.memory_space<hbm>> -> memref<32x128x8xf32, #tpu.memory_space<hbm>>
      %dma_start3A_774 = arith.constant 0 : i32
      %dma_start3A_775 = arith.constant 0 : i32
      %dma_start3A_776 = tpu.memref_slice %arg4[%mul3A_770, %dma_start3A_774, %dma_start3A_775] : memref<1024x128x8xf32, #tpu.memory_space<hbm>> -> memref<32x128x8xf32, #tpu.memory_space<hbm>>
      tpu.enqueue_dma source(%arg6 : memref<32x128x8xf32, #tpu.memory_space<vmem>>) target(%dma_start3A_776 : memref<32x128x8xf32, #tpu.memory_space<hbm>>) target_semaphore(%run_scoped3A : memref<!tpu.dma_semaphore, #tpu.memory_space<semaphore_mem>>)
      %dma_wait3A_777 = arith.constant 0 : i32
      %dma_wait3A_778 = arith.constant 0 : i32
      %dma_wait3A_779 = tpu.memref_slice %arg4[%mul3A_770, %dma_wait3A_777, %dma_wait3A_778] : memref<1024x128x8xf32, #tpu.memory_space<hbm>> -> memref<32x128x8xf32, #tpu.memory_space<hbm>>
      %dma_wait3A_780 = arith.constant 0 : i32
      %dma_wait3A_781 = arith.constant 0 : i32
      %dma_wait3A_782 = tpu.memref_slice %arg4[%mul3A_770, %dma_wait3A_780, %dma_wait3A_781] : memref<1024x128x8xf32, #tpu.memory_space<hbm>> -> memref<32x128x8xf32, #tpu.memory_space<hbm>>
      tpu.wait_dma2 semaphore(%run_scoped3A : memref<!tpu.dma_semaphore, #tpu.memory_space<semaphore_mem>>) src(%arg6 : memref<32x128x8xf32, #tpu.memory_space<vmem>>) dst(%dma_wait3A_782 : memref<32x128x8xf32, #tpu.memory_space<hbm>>)
      tpu.yield
    }) : () -> ()
    return
  }
}

module attributes {stable_mosaic.version = 14 : i64} {
  func.func @_fps_body(%arg0: memref<8x8192xf32, #tpu.memory_space<vmem>>, %arg1: memref<8x8192xf32, #tpu.memory_space<vmem>>, %arg2: memref<8x8192xf32, #tpu.memory_space<vmem>>, %arg3: memref<8x512xi32, #tpu.memory_space<vmem>>, %arg4: memref<8x512xf32, #tpu.memory_space<vmem>>, %arg5: memref<8x512xf32, #tpu.memory_space<vmem>>, %arg6: memref<8x512xf32, #tpu.memory_space<vmem>>) attributes {dimension_semantics = [], scalar_prefetch = 0 : i64, scratch_operands = 0 : i64, tpu.core_type = #tpu.core_type<tc>} {
    %get3A = arith.constant 0 : index
    %get3A_0 = arith.constant 0 : index
    %get3A_1 = vector.load %arg0[%get3A, %get3A_0] : memref<8x8192xf32, #tpu.memory_space<vmem>>, vector<8x8192xf32>
    %get3A_2 = arith.constant 0 : index
    %get3A_3 = arith.constant 0 : index
    %get3A_4 = vector.load %arg1[%get3A_2, %get3A_3] : memref<8x8192xf32, #tpu.memory_space<vmem>>, vector<8x8192xf32>
    %get3A_5 = arith.constant 0 : index
    %get3A_6 = arith.constant 0 : index
    %get3A_7 = vector.load %arg2[%get3A_5, %get3A_6] : memref<8x8192xf32, #tpu.memory_space<vmem>>, vector<8x8192xf32>
    %iota3A = tpu.iota {dimensions = array<i32: 1>} : vector<8x8192xi32>
    %iota3A_8 = tpu.iota {dimensions = array<i32: 1>} : vector<8x512xi32>
    %max3A = arith.constant 1.000000e+10 : f32
    %max3A_9 = vector.broadcast %max3A : f32 to vector<8x8192xf32>
    %max3A_10 = arith.maximumf %get3A_1, %max3A_9 : vector<8x8192xf32>
    %iota3A_11 = tpu.iota {dimensions = array<i32: 0>} : vector<8x1xi32>
    %min3A = arith.constant 0 : i32
    %min3A_12 = vector.broadcast %min3A : i32 to vector<8x1xi32>
    %min3A_13 = arith.minsi %iota3A_11, %min3A_12 : vector<8x1xi32>
    %min3A_14 = arith.constant 0 : i32
    %min3A_15 = vector.broadcast %min3A_14 : i32 to vector<8x512xi32>
    %min3A_16 = arith.minsi %iota3A_8, %min3A_15 : vector<8x512xi32>
    %min3A_17 = arith.constant 0 : i32
    %min3A_18 = vector.broadcast %min3A_17 : i32 to vector<8x512xi32>
    %min3A_19 = arith.minsi %iota3A_8, %min3A_18 : vector<8x512xi32>
    %convert_element_type3A = arith.sitofp %min3A_19 : vector<8x512xi32> to vector<8x512xf32>
    %min3A_20 = arith.constant 0 : i32
    %min3A_21 = vector.broadcast %min3A_20 : i32 to vector<8x512xi32>
    %min3A_22 = arith.minsi %iota3A_8, %min3A_21 : vector<8x512xi32>
    %convert_element_type3A_23 = arith.sitofp %min3A_22 : vector<8x512xi32> to vector<8x512xf32>
    %min3A_24 = arith.constant 0 : i32
    %min3A_25 = vector.broadcast %min3A_24 : i32 to vector<8x512xi32>
    %min3A_26 = arith.minsi %iota3A_8, %min3A_25 : vector<8x512xi32>
    %convert_element_type3A_27 = arith.sitofp %min3A_26 : vector<8x512xi32> to vector<8x512xf32>
    %scan3A = arith.constant 0 : i32
    %scan3A_28 = arith.constant 512 : i32
    %scan3A_29 = arith.addi %scan3A, %scan3A_28 : i32
    %scan3A_30 = arith.constant 1 : i32
    %scan3A_31:6 = scf.for %scan3A_44 = %scan3A to %scan3A_29 step %scan3A_30 iter_args(%scan3A_45 = %max3A_10, %scan3A_46 = %min3A_13, %scan3A_47 = %min3A_16, %scan3A_48 = %convert_element_type3A, %scan3A_49 = %convert_element_type3A_23, %scan3A_50 = %convert_element_type3A_27) -> (vector<8x8192xf32>, vector<8x1xi32>, vector<8x512xi32>, vector<8x512xf32>, vector<8x512xf32>, vector<8x512xf32>)  : i32 {
      %eq3A = vector.broadcast %scan3A_46 : vector<8x1xi32> to vector<8x8192xi32>
      %eq3A_51 = arith.cmpi eq, %iota3A, %eq3A : vector<8x8192xi32>
      %jit3A = arith.constant 0.000000e+00 : f32
      %broadcast_in_dim3A = vector.broadcast %jit3A : f32 to vector<8x8192xf32>
      %select_n3A = arith.select %eq3A_51, %get3A_1, %broadcast_in_dim3A : vector<8x8192xi1>, vector<8x8192xf32>
      %reduce_sum3A = arith.constant dense<0.000000e+00> : vector<8xf32>
      %reduce_sum3A_52 = vector.multi_reduction <add>, %select_n3A, %reduce_sum3A [1] : vector<8x8192xf32> to vector<8xf32>
      %broadcast_in_dim3A_53 = vector.shape_cast %reduce_sum3A_52 : vector<8xf32> to vector<8x1xf32>
      %jit3A_54 = arith.constant 0.000000e+00 : f32
      %broadcast_in_dim3A_55 = vector.broadcast %jit3A_54 : f32 to vector<8x8192xf32>
      %select_n3A_56 = arith.select %eq3A_51, %get3A_4, %broadcast_in_dim3A_55 : vector<8x8192xi1>, vector<8x8192xf32>
      %reduce_sum3A_57 = arith.constant dense<0.000000e+00> : vector<8xf32>
      %reduce_sum3A_58 = vector.multi_reduction <add>, %select_n3A_56, %reduce_sum3A_57 [1] : vector<8x8192xf32> to vector<8xf32>
      %broadcast_in_dim3A_59 = vector.shape_cast %reduce_sum3A_58 : vector<8xf32> to vector<8x1xf32>
      %jit3A_60 = arith.constant 0.000000e+00 : f32
      %broadcast_in_dim3A_61 = vector.broadcast %jit3A_60 : f32 to vector<8x8192xf32>
      %select_n3A_62 = arith.select %eq3A_51, %get3A_7, %broadcast_in_dim3A_61 : vector<8x8192xi1>, vector<8x8192xf32>
      %reduce_sum3A_63 = arith.constant dense<0.000000e+00> : vector<8xf32>
      %reduce_sum3A_64 = vector.multi_reduction <add>, %select_n3A_62, %reduce_sum3A_63 [1] : vector<8x8192xf32> to vector<8xf32>
      %broadcast_in_dim3A_65 = vector.shape_cast %reduce_sum3A_64 : vector<8xf32> to vector<8x1xf32>
      %eq3A_66 = vector.broadcast %scan3A_44 : i32 to vector<8x512xi32>
      %eq3A_67 = arith.cmpi eq, %iota3A_8, %eq3A_66 : vector<8x512xi32>
      %convert_element_type3A_68 = arith.extui %eq3A_67 : vector<8x512xi1> to vector<8x512xi32>
      %convert_element_type3A_69 = arith.sitofp %convert_element_type3A_68 : vector<8x512xi32> to vector<8x512xf32>
      %broadcast_in_dim3A_70 = vector.shape_cast %scan3A_46 : vector<8x1xi32> to vector<8x1xi32>
      %broadcast_in_dim3A_71 = vector.broadcast %broadcast_in_dim3A_70 : vector<8x1xi32> to vector<8x512xi32>
      %sub3A = arith.subi %broadcast_in_dim3A_71, %scan3A_47 : vector<8x512xi32>
      %mul3A = arith.muli %convert_element_type3A_68, %sub3A : vector<8x512xi32>
      %add3A = arith.addi %scan3A_47, %mul3A : vector<8x512xi32>
      %broadcast_in_dim3A_72 = vector.shape_cast %broadcast_in_dim3A_53 : vector<8x1xf32> to vector<8x1xf32>
      %broadcast_in_dim3A_73 = vector.broadcast %broadcast_in_dim3A_72 : vector<8x1xf32> to vector<8x512xf32>
      %sub3A_74 = arith.subf %broadcast_in_dim3A_73, %scan3A_48 : vector<8x512xf32>
      %mul3A_75 = arith.mulf %convert_element_type3A_69, %sub3A_74 : vector<8x512xf32>
      %add3A_76 = arith.addf %scan3A_48, %mul3A_75 : vector<8x512xf32>
      %broadcast_in_dim3A_77 = vector.shape_cast %broadcast_in_dim3A_59 : vector<8x1xf32> to vector<8x1xf32>
      %broadcast_in_dim3A_78 = vector.broadcast %broadcast_in_dim3A_77 : vector<8x1xf32> to vector<8x512xf32>
      %sub3A_79 = arith.subf %broadcast_in_dim3A_78, %scan3A_49 : vector<8x512xf32>
      %mul3A_80 = arith.mulf %convert_element_type3A_69, %sub3A_79 : vector<8x512xf32>
      %add3A_81 = arith.addf %scan3A_49, %mul3A_80 : vector<8x512xf32>
      %broadcast_in_dim3A_82 = vector.shape_cast %broadcast_in_dim3A_65 : vector<8x1xf32> to vector<8x1xf32>
      %broadcast_in_dim3A_83 = vector.broadcast %broadcast_in_dim3A_82 : vector<8x1xf32> to vector<8x512xf32>
      %sub3A_84 = arith.subf %broadcast_in_dim3A_83, %scan3A_50 : vector<8x512xf32>
      %mul3A_85 = arith.mulf %convert_element_type3A_69, %sub3A_84 : vector<8x512xf32>
      %add3A_86 = arith.addf %scan3A_50, %mul3A_85 : vector<8x512xf32>
      %sub3A_87 = vector.broadcast %broadcast_in_dim3A_53 : vector<8x1xf32> to vector<8x8192xf32>
      %sub3A_88 = arith.subf %get3A_1, %sub3A_87 : vector<8x8192xf32>
      %sub3A_89 = vector.broadcast %broadcast_in_dim3A_59 : vector<8x1xf32> to vector<8x8192xf32>
      %sub3A_90 = arith.subf %get3A_4, %sub3A_89 : vector<8x8192xf32>
      %sub3A_91 = vector.broadcast %broadcast_in_dim3A_65 : vector<8x1xf32> to vector<8x8192xf32>
      %sub3A_92 = arith.subf %get3A_7, %sub3A_91 : vector<8x8192xf32>
      %mul3A_93 = arith.mulf %sub3A_88, %sub3A_88 : vector<8x8192xf32>
      %mul3A_94 = arith.mulf %sub3A_90, %sub3A_90 : vector<8x8192xf32>
      %add3A_95 = arith.addf %mul3A_93, %mul3A_94 : vector<8x8192xf32>
      %mul3A_96 = arith.mulf %sub3A_92, %sub3A_92 : vector<8x8192xf32>
      %add3A_97 = arith.addf %add3A_95, %mul3A_96 : vector<8x8192xf32>
      %min3A_98 = arith.minimumf %scan3A_45, %add3A_97 : vector<8x8192xf32>
      %reduce_max3A = arith.constant dense<0xFF800000> : vector<8xf32>
      %reduce_max3A_99 = vector.multi_reduction <maximumf>, %min3A_98, %reduce_max3A [1] : vector<8x8192xf32> to vector<8xf32>
      %broadcast_in_dim3A_100 = vector.shape_cast %reduce_max3A_99 : vector<8xf32> to vector<8x1xf32>
      %eq3A_101 = vector.broadcast %broadcast_in_dim3A_100 : vector<8x1xf32> to vector<8x8192xf32>
      %eq3A_102 = arith.cmpf oeq, %min3A_98, %eq3A_101 : vector<8x8192xf32>
      %jit3A_103 = arith.constant 8192 : i32
      %broadcast_in_dim3A_104 = vector.broadcast %jit3A_103 : i32 to vector<8x8192xi32>
      %select_n3A_105 = arith.select %eq3A_102, %iota3A, %broadcast_in_dim3A_104 : vector<8x8192xi1>, vector<8x8192xi32>
      %reduce_min3A = arith.constant dense<2147483647> : vector<8xi32>
      %reduce_min3A_106 = vector.multi_reduction <minsi>, %select_n3A_105, %reduce_min3A [1] : vector<8x8192xi32> to vector<8xi32>
      %broadcast_in_dim3A_107 = vector.shape_cast %reduce_min3A_106 : vector<8xi32> to vector<8x1xi32>
      scf.yield %min3A_98, %broadcast_in_dim3A_107, %add3A, %add3A_76, %add3A_81, %add3A_86 : vector<8x8192xf32>, vector<8x1xi32>, vector<8x512xi32>, vector<8x512xf32>, vector<8x512xf32>, vector<8x512xf32>
    }
    %scan3A_32 = arith.constant 512 : i32
    %swap3A = arith.constant 0 : index
    %swap3A_33 = arith.constant 0 : index
    %swap3A_34 = vector.load %arg3[%swap3A, %swap3A_33] : memref<8x512xi32, #tpu.memory_space<vmem>>, vector<8x512xi32>
    tpu.vector_store %arg3[%swap3A, %swap3A_33], %scan3A_31#2 {strides = array<i32>} : memref<8x512xi32, #tpu.memory_space<vmem>>, vector<8x512xi32>,
    %swap3A_35 = arith.constant 0 : index
    %swap3A_36 = arith.constant 0 : index
    %swap3A_37 = vector.load %arg4[%swap3A_35, %swap3A_36] : memref<8x512xf32, #tpu.memory_space<vmem>>, vector<8x512xf32>
    tpu.vector_store %arg4[%swap3A_35, %swap3A_36], %scan3A_31#3 {strides = array<i32>} : memref<8x512xf32, #tpu.memory_space<vmem>>, vector<8x512xf32>,
    %swap3A_38 = arith.constant 0 : index
    %swap3A_39 = arith.constant 0 : index
    %swap3A_40 = vector.load %arg5[%swap3A_38, %swap3A_39] : memref<8x512xf32, #tpu.memory_space<vmem>>, vector<8x512xf32>
    tpu.vector_store %arg5[%swap3A_38, %swap3A_39], %scan3A_31#4 {strides = array<i32>} : memref<8x512xf32, #tpu.memory_space<vmem>>, vector<8x512xf32>,
    %swap3A_41 = arith.constant 0 : index
    %swap3A_42 = arith.constant 0 : index
    %swap3A_43 = vector.load %arg6[%swap3A_41, %swap3A_42] : memref<8x512xf32, #tpu.memory_space<vmem>>, vector<8x512xf32>
    tpu.vector_store %arg6[%swap3A_41, %swap3A_42], %scan3A_31#5 {strides = array<i32>} : memref<8x512xf32, #tpu.memory_space<vmem>>, vector<8x512xf32>,
    return
  }
}

module attributes {stable_mosaic.version = 14 : i64} {
  func.func @_knn_body(%arg0: i32, %arg1: i32, %arg2: memref<1x8x8192xf32, #tpu.memory_space<vmem>>, %arg3: memref<1x8x8192xbf16, #tpu.memory_space<vmem>>, %arg4: memref<1x128x8xf32, #tpu.memory_space<vmem>>, %arg5: memref<1x128x8xbf16, #tpu.memory_space<vmem>>, %arg6: memref<1x128x32xi32, #tpu.memory_space<vmem>>, %arg7: memref<128x8192xf32, #tpu.memory_space<vmem>>) attributes {dimension_semantics = [#tpu.dimension_semantics<arbitrary>, #tpu.dimension_semantics<arbitrary>], iteration_bounds = array<i64: 8, 4>, scalar_prefetch = 0 : i64, scratch_operands = 1 : i64, tpu.core_type = #tpu.core_type<tc>, window_params = [{transform_indices = @transform_0, window_bounds = array<i64: 1, 8, 8192>}, {transform_indices = @transform_1, window_bounds = array<i64: 1, 8, 8192>}, {transform_indices = @transform_2, window_bounds = array<i64: 1, 128, 8>}, {transform_indices = @transform_3, window_bounds = array<i64: 1, 128, 8>}, {transform_indices = @transform_4, window_bounds = array<i64: 1, 128, 32>}]} {
    %get3A = arith.constant 0 : index
    %get3A_0 = arith.constant 0 : index
    %get3A_1 = arith.constant 0 : index
    %get3A_2 = vector.load %arg2[%get3A, %get3A_0, %get3A_1] : memref<1x8x8192xf32, #tpu.memory_space<vmem>>, vector<1x8x8192xf32>
    %reshape3A = vector.shape_cast %get3A_2 : vector<1x8x8192xf32> to vector<8x8192xf32>
    %get3A_3 = arith.constant 0 : index
    %get3A_4 = arith.constant 0 : index
    %get3A_5 = arith.constant 0 : index
    %get3A_6 = vector.load %arg4[%get3A_3, %get3A_4, %get3A_5] : memref<1x128x8xf32, #tpu.memory_space<vmem>>, vector<1x128x8xf32>
    %reshape3A_7 = vector.shape_cast %get3A_6 : vector<1x128x8xf32> to vector<128x8xf32>
    %slice3A = vector.extract_strided_slice %reshape3A {offsets = [0, 0], sizes = [1, 8192], strides = [1, 1]} : vector<8x8192xf32> to vector<1x8192xf32>
    %slice3A_8 = vector.extract_strided_slice %reshape3A {offsets = [1, 0], sizes = [1, 8192], strides = [1, 1]} : vector<8x8192xf32> to vector<1x8192xf32>
    %slice3A_9 = vector.extract_strided_slice %reshape3A {offsets = [2, 0], sizes = [1, 8192], strides = [1, 1]} : vector<8x8192xf32> to vector<1x8192xf32>
    %slice3A_10 = vector.extract_strided_slice %reshape3A_7 {offsets = [0, 0], sizes = [128, 1], strides = [1, 1]} : vector<128x8xf32> to vector<128x1xf32>
    %slice3A_11 = vector.extract_strided_slice %reshape3A_7 {offsets = [0, 1], sizes = [128, 1], strides = [1, 1]} : vector<128x8xf32> to vector<128x1xf32>
    %slice3A_12 = vector.extract_strided_slice %reshape3A_7 {offsets = [0, 2], sizes = [128, 1], strides = [1, 1]} : vector<128x8xf32> to vector<128x1xf32>
    %get3A_13 = arith.constant 0 : index
    %get3A_14 = arith.constant 0 : index
    %get3A_15 = arith.constant 0 : index
    %get3A_16 = vector.load %arg5[%get3A_13, %get3A_14, %get3A_15] : memref<1x128x8xbf16, #tpu.memory_space<vmem>>, vector<1x128x8xbf16>
    %reshape3A_17 = vector.shape_cast %get3A_16 : vector<1x128x8xbf16> to vector<128x8xbf16>
    %get3A_18 = arith.constant 0 : index
    %get3A_19 = arith.constant 0 : index
    %get3A_20 = arith.constant 0 : index
    %get3A_21 = vector.load %arg3[%get3A_18, %get3A_19, %get3A_20] : memref<1x8x8192xbf16, #tpu.memory_space<vmem>>, vector<1x8x8192xbf16>
    %reshape3A_22 = vector.shape_cast %get3A_21 : vector<1x8x8192xbf16> to vector<8x8192xbf16>
    %dot_general3A = arith.constant dense<0.000000e+00> : vector<128x8192xf32>
    %dot_general3A_23 = tpu.matmul %reshape3A_17, %reshape3A_22, %dot_general3A {dimension_numbers = #tpu.dot_dimension_numbers<[1], [0], [0], [1], [0, 0, 1, 1], [], []>, transpose_lhs_hint = false} : vector<128x8xbf16>, vector<8x8192xbf16>, vector<128x8192xf32> -> vector<128x8192xf32>
    %mul3A = arith.mulf %slice3A_10, %slice3A_10 : vector<128x1xf32>
    %mul3A_24 = arith.mulf %slice3A_11, %slice3A_11 : vector<128x1xf32>
    %add3A = arith.addf %mul3A, %mul3A_24 : vector<128x1xf32>
    %mul3A_25 = arith.mulf %slice3A_12, %slice3A_12 : vector<128x1xf32>
    %add3A_26 = arith.addf %add3A, %mul3A_25 : vector<128x1xf32>
    %mul3A_27 = arith.mulf %slice3A, %slice3A : vector<1x8192xf32>
    %mul3A_28 = arith.mulf %slice3A_8, %slice3A_8 : vector<1x8192xf32>
    %add3A_29 = arith.addf %mul3A_27, %mul3A_28 : vector<1x8192xf32>
    %mul3A_30 = arith.mulf %slice3A_9, %slice3A_9 : vector<1x8192xf32>
    %add3A_31 = arith.addf %add3A_29, %mul3A_30 : vector<1x8192xf32>
    %mul3A_32 = arith.constant 2.000000e+00 : f32
    %mul3A_33 = vector.broadcast %mul3A_32 : f32 to vector<128x8192xf32>
    %mul3A_34 = arith.mulf %mul3A_33, %dot_general3A_23 : vector<128x8192xf32>
    %sub3A = vector.broadcast %add3A_26 : vector<128x1xf32> to vector<128x8192xf32>
    %sub3A_35 = arith.subf %sub3A, %mul3A_34 : vector<128x8192xf32>
    %add3A_36 = vector.broadcast %add3A_31 : vector<1x8192xf32> to vector<128x8192xf32>
    %add3A_37 = arith.addf %sub3A_35, %add3A_36 : vector<128x8192xf32>
    %swap3A = arith.constant 0 : index
    %swap3A_38 = arith.constant 0 : index
    %swap3A_39 = vector.load %arg7[%swap3A, %swap3A_38] : memref<128x8192xf32, #tpu.memory_space<vmem>>, vector<128x8192xf32>
    tpu.vector_store %arg7[%swap3A, %swap3A_38], %add3A_37 {strides = array<i32>} : memref<128x8192xf32, #tpu.memory_space<vmem>>, vector<128x8192xf32>,
    %iota3A = tpu.iota {dimensions = array<i32: 1>} : vector<128x32xi32>
    %mul3A_40 = arith.constant 8192 : i32
    %mul3A_41 = arith.muli %arg0, %mul3A_40 : i32
    %iota3A_42 = tpu.iota {dimensions = array<i32: 1>} : vector<128x128xi32>
    %iota3A_43 = tpu.iota {dimensions = array<i32: 0>} : vector<128x128xi32>
    %add3A_44 = arith.addi %iota3A_42, %iota3A_43 : vector<128x128xi32>
    %min3A = arith.constant 0 : i32
    %min3A_45 = vector.broadcast %min3A : i32 to vector<128x128xi32>
    %min3A_46 = arith.minsi %add3A_44, %min3A_45 : vector<128x128xi32>
    %convert_element_type3A = arith.sitofp %min3A_46 : vector<128x128xi32> to vector<128x128xf32>
    %slice3A_47 = vector.extract_strided_slice %add3A_37 {offsets = [0, 0], sizes = [128, 128], strides = [1, 1]} : vector<128x8192xf32> to vector<128x128xf32>
    %add3A_48 = arith.constant 0x7F800000 : f32
    %add3A_49 = vector.broadcast %add3A_48 : f32 to vector<128x128xf32>
    %add3A_50 = arith.addf %convert_element_type3A, %add3A_49 : vector<128x128xf32>
    %scan3A = arith.constant 1 : i32
    %scan3A_51 = arith.constant 63 : i32
    %scan3A_52 = arith.addi %scan3A, %scan3A_51 : i32
    %scan3A_53 = arith.constant 1 : i32
    %scan3A_54:12 = scf.for %scan3A_84 = %scan3A to %scan3A_52 step %scan3A_53 iter_args(%scan3A_85 = %slice3A_47, %scan3A_86 = %add3A_50, %scan3A_87 = %add3A_50, %scan3A_88 = %add3A_50, %scan3A_89 = %add3A_50, %scan3A_90 = %add3A_50, %scan3A_91 = %min3A_46, %scan3A_92 = %min3A_46, %scan3A_93 = %min3A_46, %scan3A_94 = %min3A_46, %scan3A_95 = %min3A_46, %scan3A_96 = %min3A_46) -> (vector<128x128xf32>, vector<128x128xf32>, vector<128x128xf32>, vector<128x128xf32>, vector<128x128xf32>, vector<128x128xf32>, vector<128x128xi32>, vector<128x128xi32>, vector<128x128xi32>, vector<128x128xi32>, vector<128x128xi32>, vector<128x128xi32>)  : i32 {
      %mul3A_97 = arith.constant 128 : i32
      %mul3A_98 = arith.muli %scan3A_84, %mul3A_97 : i32
      %multiple_of3A = tpu.assume_multiple %mul3A_98, 128 : i32
      %get3A_99 = arith.constant 0 : index
      %get3A_100 = arith.index_cast %multiple_of3A : i32 to index
      %get3A_101 = vector.load %arg7[%get3A_99, %get3A_100] : memref<128x8192xf32, #tpu.memory_space<vmem>>, vector<128x128xf32>
      %add3A_102 = vector.broadcast %scan3A_84 : i32 to vector<128x128xi32>
      %add3A_103 = arith.addi %min3A_46, %add3A_102 : vector<128x128xi32>
      %lt3A = arith.cmpf olt, %get3A_101, %scan3A_85 : vector<128x128xf32>
      %lt3A_104 = arith.cmpf olt, %get3A_101, %scan3A_86 : vector<128x128xf32>
      %lt3A_105 = arith.cmpf olt, %get3A_101, %scan3A_87 : vector<128x128xf32>
      %lt3A_106 = arith.cmpf olt, %get3A_101, %scan3A_88 : vector<128x128xf32>
      %lt3A_107 = arith.cmpf olt, %get3A_101, %scan3A_89 : vector<128x128xf32>
      %lt3A_108 = arith.cmpf olt, %get3A_101, %scan3A_90 : vector<128x128xf32>
      %select_n3A = arith.select %lt3A, %get3A_101, %scan3A_85 : vector<128x128xi1>, vector<128x128xf32>
      %select_n3A_109 = arith.select %lt3A, %add3A_103, %scan3A_91 : vector<128x128xi1>, vector<128x128xi32>
      %select_n3A_110 = arith.select %lt3A_104, %get3A_101, %scan3A_86 : vector<128x128xi1>, vector<128x128xf32>
      %select_n3A_111 = arith.select %lt3A, %scan3A_85, %select_n3A_110 : vector<128x128xi1>, vector<128x128xf32>
      %select_n3A_112 = arith.select %lt3A_104, %add3A_103, %scan3A_92 : vector<128x128xi1>, vector<128x128xi32>
      %select_n3A_113 = arith.select %lt3A, %scan3A_91, %select_n3A_112 : vector<128x128xi1>, vector<128x128xi32>
      %select_n3A_114 = arith.select %lt3A_105, %get3A_101, %scan3A_87 : vector<128x128xi1>, vector<128x128xf32>
      %select_n3A_115 = arith.select %lt3A_104, %scan3A_86, %select_n3A_114 : vector<128x128xi1>, vector<128x128xf32>
      %select_n3A_116 = arith.select %lt3A_105, %add3A_103, %scan3A_93 : vector<128x128xi1>, vector<128x128xi32>
      %select_n3A_117 = arith.select %lt3A_104, %scan3A_92, %select_n3A_116 : vector<128x128xi1>, vector<128x128xi32>
      %select_n3A_118 = arith.select %lt3A_106, %get3A_101, %scan3A_88 : vector<128x128xi1>, vector<128x128xf32>
      %select_n3A_119 = arith.select %lt3A_105, %scan3A_87, %select_n3A_118 : vector<128x128xi1>, vector<128x128xf32>
      %select_n3A_120 = arith.select %lt3A_106, %add3A_103, %scan3A_94 : vector<128x128xi1>, vector<128x128xi32>
      %select_n3A_121 = arith.select %lt3A_105, %scan3A_93, %select_n3A_120 : vector<128x128xi1>, vector<128x128xi32>
      %select_n3A_122 = arith.select %lt3A_107, %get3A_101, %scan3A_89 : vector<128x128xi1>, vector<128x128xf32>
      %select_n3A_123 = arith.select %lt3A_106, %scan3A_88, %select_n3A_122 : vector<128x128xi1>, vector<128x128xf32>
      %select_n3A_124 = arith.select %lt3A_107, %add3A_103, %scan3A_95 : vector<128x128xi1>, vector<128x128xi32>
      %select_n3A_125 = arith.select %lt3A_106, %scan3A_94, %select_n3A_124 : vector<128x128xi1>, vector<128x128xi32>
      %select_n3A_126 = arith.select %lt3A_108, %get3A_101, %scan3A_90 : vector<128x128xi1>, vector<128x128xf32>
      %select_n3A_127 = arith.select %lt3A_107, %scan3A_89, %select_n3A_126 : vector<128x128xi1>, vector<128x128xf32>
      %select_n3A_128 = arith.select %lt3A_108, %add3A_103, %scan3A_96 : vector<128x128xi1>, vector<128x128xi32>
      %select_n3A_129 = arith.select %lt3A_107, %scan3A_95, %select_n3A_128 : vector<128x128xi1>, vector<128x128xi32>
      scf.yield %select_n3A, %select_n3A_111, %select_n3A_115, %select_n3A_119, %select_n3A_123, %select_n3A_127, %select_n3A_109, %select_n3A_113, %select_n3A_117, %select_n3A_121, %select_n3A_125, %select_n3A_129 : vector<128x128xf32>, vector<128x128xf32>, vector<128x128xf32>, vector<128x128xf32>, vector<128x128xf32>, vector<128x128xf32>, vector<128x128xi32>, vector<128x128xi32>, vector<128x128xi32>, vector<128x128xi32>, vector<128x128xi32>, vector<128x128xi32>
    }
    %scan3A_55 = arith.constant 63 : i32
    %iota3A_56 = tpu.iota {dimensions = array<i32: 0>} : vector<128x1xi32>
    %min3A_57 = arith.constant 0 : i32
    %min3A_58 = vector.broadcast %min3A_57 : i32 to vector<128x1xi32>
    %min3A_59 = arith.minsi %iota3A_56, %min3A_58 : vector<128x1xi32>
    %min3A_60 = arith.constant 0 : i32
    %min3A_61 = vector.broadcast %min3A_60 : i32 to vector<128x32xi32>
    %min3A_62 = arith.minsi %iota3A, %min3A_61 : vector<128x32xi32>
    %scan3A_63 = arith.constant 0x7F800000 : f32
    %scan3A_64 = arith.constant 0 : i32
    %scan3A_65 = arith.constant 32 : i32
    %scan3A_66 = arith.addi %scan3A_64, %scan3A_65 : i32
    %scan3A_67 = arith.constant 1 : i32
    %scan3A_68:13 = scf.for %scan3A_84 = %scan3A_64 to %scan3A_66 step %scan3A_67 iter_args(%scan3A_85 = %scan3A_54#0, %scan3A_86 = %scan3A_54#1, %scan3A_87 = %scan3A_54#2, %scan3A_88 = %scan3A_54#3, %scan3A_89 = %scan3A_54#4, %scan3A_90 = %scan3A_54#5, %scan3A_91 = %scan3A_54#6, %scan3A_92 = %scan3A_54#7, %scan3A_93 = %scan3A_54#8, %scan3A_94 = %scan3A_54#9, %scan3A_95 = %scan3A_54#10, %scan3A_96 = %min3A_62, %scan3A_97 = %min3A_59) -> (vector<128x128xf32>, vector<128x128xf32>, vector<128x128xf32>, vector<128x128xf32>, vector<128x128xf32>, vector<128x128xf32>, vector<128x128xi32>, vector<128x128xi32>, vector<128x128xi32>, vector<128x128xi32>, vector<128x128xi32>, vector<128x32xi32>, vector<128x1xi32>)  : i32 {
      %mul3A_98 = arith.constant 128 : i32
      %mul3A_99 = vector.broadcast %mul3A_98 : i32 to vector<128x128xi32>
      %mul3A_100 = arith.muli %scan3A_91, %mul3A_99 : vector<128x128xi32>
      %add3A_101 = arith.addi %mul3A_100, %iota3A_42 : vector<128x128xi32>
      %reduce_min3A = arith.constant dense<0x7F800000> : vector<128xf32>
      %reduce_min3A_102 = vector.multi_reduction <minimumf>, %scan3A_85, %reduce_min3A [1] : vector<128x128xf32> to vector<128xf32>
      %broadcast_in_dim3A_103 = vector.shape_cast %reduce_min3A_102 : vector<128xf32> to vector<128x1xf32>
      %eq3A = vector.broadcast %broadcast_in_dim3A_103 : vector<128x1xf32> to vector<128x128xf32>
      %eq3A_104 = arith.cmpf oeq, %scan3A_85, %eq3A : vector<128x128xf32>
      %jit3A = arith.constant 8192 : i32
      %broadcast_in_dim3A_105 = vector.broadcast %jit3A : i32 to vector<128x128xi32>
      %select_n3A = arith.select %eq3A_104, %add3A_101, %broadcast_in_dim3A_105 : vector<128x128xi1>, vector<128x128xi32>
      %reduce_min3A_106 = arith.constant dense<2147483647> : vector<128xi32>
      %reduce_min3A_107 = vector.multi_reduction <minsi>, %select_n3A, %reduce_min3A_106 [1] : vector<128x128xi32> to vector<128xi32>
      %broadcast_in_dim3A_108 = vector.shape_cast %reduce_min3A_107 : vector<128xi32> to vector<128x1xi32>
      %eq3A_109 = vector.broadcast %scan3A_84 : i32 to vector<128x32xi32>
      %eq3A_110 = arith.cmpi eq, %iota3A, %eq3A_109 : vector<128x32xi32>
      %convert_element_type3A_111 = arith.extui %eq3A_110 : vector<128x32xi1> to vector<128x32xi32>
      %broadcast_in_dim3A_112 = vector.shape_cast %broadcast_in_dim3A_108 : vector<128x1xi32> to vector<128x1xi32>
      %broadcast_in_dim3A_113 = vector.broadcast %broadcast_in_dim3A_112 : vector<128x1xi32> to vector<128x32xi32>
      %sub3A_114 = arith.subi %broadcast_in_dim3A_113, %scan3A_96 : vector<128x32xi32>
      %mul3A_115 = arith.muli %convert_element_type3A_111, %sub3A_114 : vector<128x32xi32>
      %add3A_116 = arith.addi %scan3A_96, %mul3A_115 : vector<128x32xi32>
      %and3A = arith.constant 127 : i32
      %and3A_117 = vector.broadcast %and3A : i32 to vector<128x1xi32>
      %and3A_118 = arith.andi %broadcast_in_dim3A_108, %and3A_117 : vector<128x1xi32>
      %eq3A_119 = vector.broadcast %and3A_118 : vector<128x1xi32> to vector<128x128xi32>
      %eq3A_120 = arith.cmpi eq, %iota3A_42, %eq3A_119 : vector<128x128xi32>
      %broadcast_in_dim3A_121 = vector.broadcast %scan3A_63 : f32 to vector<128x128xf32>
      %select_n3A_122 = arith.select %eq3A_120, %scan3A_86, %broadcast_in_dim3A_121 : vector<128x128xi1>, vector<128x128xf32>
      %reduce_min3A_123 = arith.constant dense<0x7F800000> : vector<128xf32>
      %reduce_min3A_124 = vector.multi_reduction <minimumf>, %select_n3A_122, %reduce_min3A_123 [1] : vector<128x128xf32> to vector<128xf32>
      %broadcast_in_dim3A_125 = vector.shape_cast %reduce_min3A_124 : vector<128xf32> to vector<128x1xf32>
      %eq3A_126 = vector.broadcast %scan3A_63 : f32 to vector<128x1xf32>
      %eq3A_127 = arith.cmpf oeq, %broadcast_in_dim3A_125, %eq3A_126 : vector<128x1xf32>
      %convert_element_type3A_128 = arith.extui %eq3A_127 : vector<128x1xi1> to vector<128x1xi32>
      %max3A = arith.maxsi %scan3A_97, %convert_element_type3A_128 : vector<128x1xi32>
      %select_n3A_129 = arith.select %eq3A_120, %scan3A_86, %scan3A_85 : vector<128x128xi1>, vector<128x128xf32>
      %select_n3A_130 = arith.select %eq3A_120, %scan3A_92, %scan3A_91 : vector<128x128xi1>, vector<128x128xi32>
      %select_n3A_131 = arith.select %eq3A_120, %scan3A_87, %scan3A_86 : vector<128x128xi1>, vector<128x128xf32>
      %select_n3A_132 = arith.select %eq3A_120, %scan3A_93, %scan3A_92 : vector<128x128xi1>, vector<128x128xi32>
      %select_n3A_133 = arith.select %eq3A_120, %scan3A_88, %scan3A_87 : vector<128x128xi1>, vector<128x128xf32>
      %select_n3A_134 = arith.select %eq3A_120, %scan3A_94, %scan3A_93 : vector<128x128xi1>, vector<128x128xi32>
      %select_n3A_135 = arith.select %eq3A_120, %scan3A_89, %scan3A_88 : vector<128x128xi1>, vector<128x128xf32>
      %select_n3A_136 = arith.select %eq3A_120, %scan3A_95, %scan3A_94 : vector<128x128xi1>, vector<128x128xi32>
      %select_n3A_137 = arith.select %eq3A_120, %scan3A_90, %scan3A_89 : vector<128x128xi1>, vector<128x128xf32>
      %select_n3A_138 = arith.select %eq3A_120, %scan3A_54#11, %scan3A_95 : vector<128x128xi1>, vector<128x128xi32>
      %broadcast_in_dim3A_139 = vector.broadcast %scan3A_63 : f32 to vector<128x128xf32>
      %select_n3A_140 = arith.select %eq3A_120, %broadcast_in_dim3A_139, %scan3A_90 : vector<128x128xi1>, vector<128x128xf32>
      scf.yield %select_n3A_129, %select_n3A_131, %select_n3A_133, %select_n3A_135, %select_n3A_137, %select_n3A_140, %select_n3A_130, %select_n3A_132, %select_n3A_134, %select_n3A_136, %select_n3A_138, %add3A_116, %max3A : vector<128x128xf32>, vector<128x128xf32>, vector<128x128xf32>, vector<128x128xf32>, vector<128x128xf32>, vector<128x128xf32>, vector<128x128xi32>, vector<128x128xi32>, vector<128x128xi32>, vector<128x128xi32>, vector<128x128xi32>, vector<128x32xi32>, vector<128x1xi32>
    }
    %scan3A_69 = arith.constant 32 : i32
    %add3A_70 = vector.broadcast %mul3A_41 : i32 to vector<128x32xi32>
    %add3A_71 = arith.addi %scan3A_68#11, %add3A_70 : vector<128x32xi32>
    %broadcast_in_dim3A = vector.shape_cast %add3A_71 : vector<128x32xi32> to vector<1x128x32xi32>
    %swap3A_72 = arith.constant 0 : index
    %swap3A_73 = arith.constant 0 : index
    %swap3A_74 = arith.constant 0 : index
    %swap3A_75 = vector.load %arg6[%swap3A_72, %swap3A_73, %swap3A_74] : memref<1x128x32xi32, #tpu.memory_space<vmem>>, vector<1x128x32xi32>
    tpu.vector_store %arg6[%swap3A_72, %swap3A_73, %swap3A_74], %broadcast_in_dim3A {strides = array<i32>} : memref<1x128x32xi32, #tpu.memory_space<vmem>>, vector<1x128x32xi32>,
    %reduce_max3A = vector.shape_cast %scan3A_68#12 : vector<128x1xi32> to vector<1x128x1xi32>
    %reduce_max3A_76 = arith.constant dense<-2147483648> : vector<1xi32>
    %reduce_max3A_77 = vector.multi_reduction <maxsi>, %reduce_max3A, %reduce_max3A_76 [1, 2] : vector<1x128x1xi32> to vector<1xi32>
    %reduce_max3A_78 = vector.shape_cast %reduce_max3A_77 : vector<1xi32> to vector<1x1x1xi32>
    %reduce_max3A_79 = vector.extract %reduce_max3A_78[0, 0, 0] : i32 from vector<1x1x1xi32>
    %gt3A = arith.constant 0 : i32
    %gt3A_80 = arith.cmpi sgt, %reduce_max3A_79, %gt3A : i32
    %convert_element_type3A_81 = arith.extui %gt3A_80 : i1 to i32
    %cond3A = arith.constant 0x7F800000 : f32
    %cond3A_82 = arith.constant 0 : i32
    %cond3A_83 = arith.cmpi ne, %convert_element_type3A_81, %cond3A_82 : i32
    scf.if %cond3A_83 {
      %iota3A_84 = tpu.iota {dimensions = array<i32: 1>} : vector<128x8192xi32>
      %min3A_85 = arith.constant 0 : i32
      %min3A_86 = vector.broadcast %min3A_85 : i32 to vector<128x32xi32>
      %min3A_87 = arith.minsi %iota3A, %min3A_86 : vector<128x32xi32>
      %scan3A_88 = arith.constant 0 : i32
      %scan3A_89 = arith.constant 32 : i32
      %scan3A_90 = arith.addi %scan3A_88, %scan3A_89 : i32
      %scan3A_91 = arith.constant 1 : i32
      %scan3A_92:2 = scf.for %scan3A_101 = %scan3A_88 to %scan3A_90 step %scan3A_91 iter_args(%scan3A_102 = %add3A_37, %scan3A_103 = %min3A_87) -> (vector<128x8192xf32>, vector<128x32xi32>)  : i32 {
        %reduce_min3A = arith.constant dense<0x7F800000> : vector<128xf32>
        %reduce_min3A_104 = vector.multi_reduction <minimumf>, %scan3A_102, %reduce_min3A [1] : vector<128x8192xf32> to vector<128xf32>
        %broadcast_in_dim3A_105 = vector.shape_cast %reduce_min3A_104 : vector<128xf32> to vector<128x1xf32>
        %eq3A = vector.broadcast %broadcast_in_dim3A_105 : vector<128x1xf32> to vector<128x8192xf32>
        %eq3A_106 = arith.cmpf oeq, %scan3A_102, %eq3A : vector<128x8192xf32>
        %jit3A = arith.constant 8192 : i32
        %broadcast_in_dim3A_107 = vector.broadcast %jit3A : i32 to vector<128x8192xi32>
        %select_n3A = arith.select %eq3A_106, %iota3A_84, %broadcast_in_dim3A_107 : vector<128x8192xi1>, vector<128x8192xi32>
        %reduce_min3A_108 = arith.constant dense<2147483647> : vector<128xi32>
        %reduce_min3A_109 = vector.multi_reduction <minsi>, %select_n3A, %reduce_min3A_108 [1] : vector<128x8192xi32> to vector<128xi32>
        %broadcast_in_dim3A_110 = vector.shape_cast %reduce_min3A_109 : vector<128xi32> to vector<128x1xi32>
        %eq3A_111 = vector.broadcast %scan3A_101 : i32 to vector<128x32xi32>
        %eq3A_112 = arith.cmpi eq, %iota3A, %eq3A_111 : vector<128x32xi32>
        %convert_element_type3A_113 = arith.extui %eq3A_112 : vector<128x32xi1> to vector<128x32xi32>
        %broadcast_in_dim3A_114 = vector.shape_cast %broadcast_in_dim3A_110 : vector<128x1xi32> to vector<128x1xi32>
        %broadcast_in_dim3A_115 = vector.broadcast %broadcast_in_dim3A_114 : vector<128x1xi32> to vector<128x32xi32>
        %sub3A_116 = arith.subi %broadcast_in_dim3A_115, %scan3A_103 : vector<128x32xi32>
        %mul3A_117 = arith.muli %convert_element_type3A_113, %sub3A_116 : vector<128x32xi32>
        %add3A_118 = arith.addi %scan3A_103, %mul3A_117 : vector<128x32xi32>
        %eq3A_119 = vector.broadcast %broadcast_in_dim3A_110 : vector<128x1xi32> to vector<128x8192xi32>
        %eq3A_120 = arith.cmpi eq, %iota3A_84, %eq3A_119 : vector<128x8192xi32>
        %broadcast_in_dim3A_121 = vector.broadcast %cond3A : f32 to vector<128x8192xf32>
        %select_n3A_122 = arith.select %eq3A_120, %broadcast_in_dim3A_121, %scan3A_102 : vector<128x8192xi1>, vector<128x8192xf32>
        scf.yield %select_n3A_122, %add3A_118 : vector<128x8192xf32>, vector<128x32xi32>
      }
      %scan3A_93 = arith.constant 32 : i32
      %add3A_94 = vector.broadcast %mul3A_41 : i32 to vector<128x32xi32>
      %add3A_95 = arith.addi %scan3A_92#1, %add3A_94 : vector<128x32xi32>
      %broadcast_in_dim3A_96 = vector.shape_cast %add3A_95 : vector<128x32xi32> to vector<1x128x32xi32>
      %swap3A_97 = arith.constant 0 : index
      %swap3A_98 = arith.constant 0 : index
      %swap3A_99 = arith.constant 0 : index
      %swap3A_100 = vector.load %arg6[%swap3A_97, %swap3A_98, %swap3A_99] : memref<1x128x32xi32, #tpu.memory_space<vmem>>, vector<1x128x32xi32>
      tpu.vector_store %arg6[%swap3A_97, %swap3A_98, %swap3A_99], %broadcast_in_dim3A_96 {strides = array<i32>} : memref<1x128x32xi32, #tpu.memory_space<vmem>>, vector<1x128x32xi32>,
    } else {
    }
    return
  }
  func.func @transform_0(%arg0: i32, %arg1: i32) -> (i32, i32, i32) {
    %c0_i32 = arith.constant 0 : i32
    %c0_i32_0 = arith.constant 0 : i32
    %c0_i32_1 = arith.constant 0 : i32
    return %arg0, %c0_i32, %c0_i32_0 : i32, i32, i32
  }
  func.func @transform_1(%arg0: i32, %arg1: i32) -> (i32, i32, i32) {
    %c0_i32 = arith.constant 0 : i32
    %c0_i32_0 = arith.constant 0 : i32
    %c0_i32_1 = arith.constant 0 : i32
    return %arg0, %c0_i32, %c0_i32_0 : i32, i32, i32
  }
  func.func @transform_2(%arg0: i32, %arg1: i32) -> (i32, i32, i32) {
    %c0_i32 = arith.constant 0 : i32
    %c0_i32_0 = arith.constant 0 : i32
    return %arg0, %arg1, %c0_i32 : i32, i32, i32
  }
  func.func @transform_3(%arg0: i32, %arg1: i32) -> (i32, i32, i32) {
    %c0_i32 = arith.constant 0 : i32
    %c0_i32_0 = arith.constant 0 : i32
    return %arg0, %arg1, %c0_i32 : i32, i32, i32
  }
  func.func @transform_4(%arg0: i32, %arg1: i32) -> (i32, i32, i32) {
    %c0_i32 = arith.constant 0 : i32
    %c0_i32_0 = arith.constant 0 : i32
    return %arg0, %arg1, %c0_i32 : i32, i32, i32
  }
}

module attributes {stable_mosaic.version = 14 : i64} {
  func.func @_sub_body(%arg0: i32, %arg1: memref<512x256xf32, #tpu.memory_space<vmem>>, %arg2: memref<512x8xf32, #tpu.memory_space<vmem>>, %arg3: memref<512x256xf32, #tpu.memory_space<vmem>>) attributes {dimension_semantics = [#tpu.dimension_semantics<arbitrary>], iteration_bounds = array<i64: 8>, scalar_prefetch = 0 : i64, scratch_operands = 0 : i64, tpu.core_type = #tpu.core_type<tc>, window_params = [{transform_indices = @transform_0, window_bounds = array<i64: 512, 256>}, {transform_indices = @transform_1, window_bounds = array<i64: 512, 8>}, {transform_indices = @transform_2, window_bounds = array<i64: 512, 256>}]} {
    %get3A = arith.constant 0 : index
    %get3A_0 = arith.constant 0 : index
    %get3A_1 = vector.load %arg1[%get3A, %get3A_0] : memref<512x256xf32, #tpu.memory_space<vmem>>, vector<512x256xf32>
    %get3A_2 = arith.constant 0 : index
    %get3A_3 = arith.constant 0 : index
    %get3A_4 = vector.load %arg2[%get3A_2, %get3A_3] : memref<512x8xf32, #tpu.memory_space<vmem>>, vector<512x8xf32>
    %reshape3A = vector.shape_cast %get3A_1 : vector<512x256xf32> to vector<512x32x8xf32>
    %broadcast_in_dim3A = vector.shape_cast %get3A_4 : vector<512x8xf32> to vector<512x1x8xf32>
    %sub3A = vector.broadcast %broadcast_in_dim3A : vector<512x1x8xf32> to vector<512x32x8xf32>
    %sub3A_5 = arith.subf %reshape3A, %sub3A : vector<512x32x8xf32>
    %reshape3A_6 = vector.shape_cast %sub3A_5 : vector<512x32x8xf32> to vector<512x256xf32>
    %swap3A = arith.constant 0 : index
    %swap3A_7 = arith.constant 0 : index
    %swap3A_8 = vector.load %arg3[%swap3A, %swap3A_7] : memref<512x256xf32, #tpu.memory_space<vmem>>, vector<512x256xf32>
    tpu.vector_store %arg3[%swap3A, %swap3A_7], %reshape3A_6 {strides = array<i32>} : memref<512x256xf32, #tpu.memory_space<vmem>>, vector<512x256xf32>,
    return
  }
  func.func @transform_0(%arg0: i32) -> (i32, i32) {
    %c0_i32 = arith.constant 0 : i32
    %c0_i32_0 = arith.constant 0 : i32
    return %arg0, %c0_i32 : i32, i32
  }
  func.func @transform_1(%arg0: i32) -> (i32, i32) {
    %c0_i32 = arith.constant 0 : i32
    %c0_i32_0 = arith.constant 0 : i32
    return %arg0, %c0_i32 : i32, i32
  }
  func.func @transform_2(%arg0: i32) -> (i32, i32) {
    %c0_i32 = arith.constant 0 : i32
    %c0_i32_0 = arith.constant 0 : i32
    return %arg0, %c0_i32 : i32, i32
  }
}

</mosaic_0001>

<sc_bundles>
// kernel: kernel.6.cloned.1.call-start
scs
__scs_entry_jumppad:
0x0: {  	(pc) =	sbr.rel $0x88, $3  }
0x1: {  	(tag) =	ssettag $0x0;
	lr =	simm.s32 $0x1  }
0x2: {  	[smem:$0x3FA0] =	sst lr;
	_ =	strace $0xD0000000  }
0x3: {  	_ = 	snop  }
0x4: {  	_ = 	snop  }
0x5: {  	_ = 	snop  }
0x6: {  	_ = 	snop  }
0x7: {  	_ = 	snop  }
__scs_overlays_trampoline_lowered:
0x8: {  	[smem:$0x3FAF] =	sst s0  }
0x9: {  	[smem:$0x3FB0] =	sst s1  }
0xa: {  	[smem:$0x3FB1] =	sst s2  }
0xb: {  	[smem:$0x3FB2] =	sst s3  }
0xc: {  	[smem:$0x3FB3] =	sst s4  }
0xd: {  	[smem:$0x3FB4] =	sst s5  }
0xe: {  	[smem:$0x3FB5] =	sst s6  }
0xf: {  	[smem:$0x3FB6] =	sst s7  }
0x10: {  	[smem:$0x3FB7] =	sst s8  }
0x11: {  	[smem:$0x3FB8] =	sst s9;
	s0 =	simm.s32 @!p0 $0x0  }
0x12: {  	s1 =	sld [smem:$0x3F9E];
	s0 =	simm.s32 @p0 $0x1  }
0x13: {  	[smem:$0x3FB9] =	sst s0;
	s0 =	simm.s32 @!p1 $0x0  }
0x14: {  	s2 =	sld [smem:$0x3F9D];
	s0 =	simm.s32 @p1 $0x1  }
0x15: {  	[smem:$0x3FBA] =	sst s0;
	s0 =	simm.s32 @!p2 $0x0  }
0x16: {  	s3 =	sld [smem:$0x3FDB];
	s0 =	simm.s32 @p2 $0x1  }
0x17: {  	s4 =	simm.s32 $0x1BF5;
	[smem:$0x3FBC] =	sst s0  }
0x18: {  	s0 =	sld [smem:$0x3F9F];
	_ =	swait.ge [sflag:s4], $0x0  }
0x19: {  	s7 =	sld [smem:$0x3FA0]  }
0x1a: {  	s8 =	sadd.s32 $0xFFFFE003, lr  }
0x1b: {  	s9 =	sadd.s32 $0xFFFFFEF7, lr;
	s5 =	simm.s32 $0xFFFFFFFF;
	p2 =	slt.u32 s8, $0xFFFFF086  }
0x1c: {  	p1 =	slt.u32 s9, $0xF7A;
	s5 =	simm.s32 @!p2 $0x0  }
0x1d: {  	s5 =	simm.s32 @p1 $0x1;
	p0 =	seq.s32 s7, s2  }
0x1e: {  	s7 =	smul.u32 @!p0 $0xF7A, s2;
	p2 =	seq.s32 @!p0 s5, $0x0  }
0x1f: {  	s9 =	smul.u32 $0xF7A, s1;
	s8 =	simm.s32 @!p0 $0x1BF5;
	p2 =	por !p2, p0  }
0x20: {  	[sflag:s8] =	ssyncset.s32 @!p0 $0xFFFFF086;
	s6 =	sadd.s32 @!p0 s3, s7;
	s7 =	simm.s32 @!p0 $0x108  }
0x21: {  	s3 =	sadd.s32 s3, s9;
	s6 =	sadd.s32 @!p0 $0x88, s6;
	s7 =	simm.s32 @p2 $0x1082  }
0x22: {  	[simem:s7], [sflag:s8] =	dma.local @!p0 [hbm:s6], $0xF7A  }
0x23: {  	s9 =	sor.u32 $0xD0000000, s2;
	s6 =	simm.s32 $0x108;
	_ =	swait.ge @!p0 [sflag:s8], $0x0  }
0x24: {  	s3 =	sadd.s32 $0x88, s3;
	s6 =	simm.s32 @!p1 $0x1082;
	[sflag:s4] =	ssyncset.s32 $0xFFFFF086  }
0x25: {  	[simem:s6], [sflag:s4] =	dma.local [hbm:s3], $0xF7A  }
0x26: {  	[smem:$0x3FA0] =	sst s1;
	(tag) =	ssettag s2;
	_ =	strace s9  }
0x27: {  	s1 =	sld [smem:$0x3FB0]  }
0x28: {  	s2 =	sld [smem:$0x3FB1]  }
0x29: {  	s4 =	sld [smem:$0x3FB3]  }
0x2a: {  	p0 =	seq.s32 s5, $0x0;
	s5 =	sld [smem:$0x3FB4]  }
0x2b: {  	s6 =	sld [smem:$0x3FB5]  }
0x2c: {  	s7 =	sld [smem:$0x3FB6]  }
0x2d: {  	s3 =	simm.s32 $0x108;
	s8 =	sld [smem:$0x3FB7]  }
0x2e: {  	s3 =	simm.s32 @!p0 $0x1082;
	s9 =	sld [smem:$0x3FB8]  }
0x2f: {  	lr =	sadd.s32 s0, s3;
	s0 =	sld [smem:$0x3FAF]  }
0x30: {  	s3 =	sld [smem:$0x3FB2]  }
0x31: {  	[smem:$0x3FBB] =	sst s10  }
0x32: {  	s10 =	sld [smem:$0x3FB9];
	_ =	sdelay $0x3  }
0x33: {  	p0 =	seq.s32 s10, $0x1;
	s10 =	sld [smem:$0x3FBB];
	_ =	sdelay $0x3  }
0x34: {  	[smem:$0x3FBB] =	sst s10  }
0x35: {  	s10 =	sld [smem:$0x3FBA];
	_ =	sdelay $0x3  }
0x36: {  	p1 =	seq.s32 s10, $0x1;
	s10 =	sld [smem:$0x3FBB];
	_ =	sdelay $0x3  }
0x37: {  	[smem:$0x3FBB] =	sst s10  }
0x38: {  	s10 =	sld [smem:$0x3FBC]  }
0x39: {  	_ = 	snop;
	(pc) =	sbr.ind lr, $3  }
0x3a: {  	_ = 	snop  }
0x3b: {  	_ = 	snop  }
0x3c: {  	p2 =	seq.s32 s10, $0x1;
	s10 =	sld [smem:$0x3FBB]  }
0x3d: {  	_ =	shalt  }
0x3e: {  	_ =	shalt  }
0x3f: {  	_ =	shalt  }
0x40: {  	_ =	shalt  }
0x41: {  	_ =	shalt  }
0x42: {  	_ =	shalt  }
0x43: {  	_ =	shalt  }
0x44: {  	_ =	shalt  }
0x45: {  	_ =	shalt  }
0x46: {  	_ =	shalt  }
0x47: {  	_ =	shalt  }
0x48: {  	_ =	shalt  }
0x49: {  	_ =	shalt  }
0x4a: {  	_ =	shalt  }
0x4b: {  	_ =	shalt  }
0x4c: {  	_ =	shalt  }
0x4d: {  	_ =	shalt  }
0x4e: {  	_ =	shalt  }
0x4f: {  	_ =	shalt  }
0x50: {  	_ =	shalt  }
0x51: {  	_ =	shalt  }
0x52: {  	_ =	shalt  }
0x53: {  	_ =	shalt  }
0x54: {  	_ =	shalt  }
0x55: {  	_ =	shalt  }
0x56: {  	_ =	shalt  }
0x57: {  	_ =	shalt  }
0x58: {  	_ =	shalt  }
0x59: {  	_ =	shalt  }
0x5a: {  	_ =	shalt  }
0x5b: {  	_ =	shalt  }
0x5c: {  	_ =	shalt  }
0x5d: {  	_ =	shalt  }
0x5e: {  	_ =	shalt  }
0x5f: {  	_ =	shalt  }
0x60: {  	_ =	shalt  }
0x61: {  	_ =	shalt  }
0x62: {  	_ =	shalt  }
0x63: {  	_ =	shalt  }
0x64: {  	_ =	shalt  }
0x65: {  	_ =	shalt  }
0x66: {  	_ =	shalt  }
0x67: {  	_ =	shalt  }
0x68: {  	_ =	shalt  }
0x69: {  	_ =	shalt  }
0x6a: {  	_ =	shalt  }
0x6b: {  	_ =	shalt  }
0x6c: {  	_ =	shalt  }
0x6d: {  	_ =	shalt  }
0x6e: {  	_ =	shalt  }
0x6f: {  	_ =	shalt  }
0x70: {  	_ =	shalt  }
0x71: {  	_ =	shalt  }
0x72: {  	_ =	shalt  }
0x73: {  	_ =	shalt  }
0x74: {  	_ =	shalt  }
0x75: {  	_ =	shalt  }
0x76: {  	_ =	shalt  }
0x77: {  	_ =	shalt  }
0x78: {  	_ =	shalt  }
0x79: {  	_ =	shalt  }
0x7a: {  	_ =	shalt  }
0x7b: {  	_ =	shalt  }
0x7c: {  	_ =	shalt  }
0x7d: {  	_ =	shalt  }
0x7e: {  	_ =	shalt  }
0x7f: {  	_ =	shalt  }
0x80: {  	_ =	shalt  }
0x81: {  	_ =	shalt  }
0x82: {  	_ =	shalt  }
0x83: {  	_ =	shalt  }
0x84: {  	_ =	shalt  }
0x85: {  	_ =	shalt  }
0x86: {  	_ =	shalt  }
0x87: {  	_ =	shalt  }
.Lfunc_end0:
.L_simem_size_0:
called_computation_lowered:
.L_overlay_start_0:
0x88: {  	s2 =	sld [smem:$0x3FD9]  }
0x89: {  	s3 =	sld [smem:$0x3FFE];
	_ =	sdelay $0x1  }
0x8a: {  	s1 =	srdreg.scid  }
0x8b: {  	s0 =	sand.u32 $0x1, s1  }
0x8c: {  	s14 =	sshll.u32 s0, $0xA;
	s2 =	sadd.s32 s3, s2  }
0x8d: {  	s2 =	sadd.s32 s2, s14  }
0x8e: {  	[smem:$0x3FC7] =	sst s2  }
0x8f: {  	_ = 	snop  }
0x90: {  	s2 =	sld [smem:$0x3FD0];
	_ =	sdelay $0x2  }
0x91: {  	s15 =	simm.s32 $0xA;
	s4 =	simm.s32 $0x10  }
0x92: {  	[smem:s4], [sflag:s15] =	dma.local [hbm:s2], $0x1  }
0x93: {  	_ =	swait.eq [sflag:s15], $0x1  }
0x94: {  	[sflag:s15] =	ssyncset.done $0x0  }
0x95: {  	[sflag:s15] =	ssyncadd.s32 $0xFFFFFFFF  }
0x96: {  	s16 =	sld [smem:$0x10];
	(tm) =	ssettm $0x1  }
0x97: {  	s17 =	sld [smem:$0x3FFB];
	_ =	sdelay $0x3  }
0x98: {  	_ =	strace s17  }
0x99: {  	s3 =	sld [smem:$0x3FFC];
	_ =	sdelay $0x3  }
0x9a: {  	_ =	strace s3  }
0x9b: {  	s3 =	sld [smem:$0x3FFD];
	_ =	sdelay $0x3  }
0x9c: {  	_ =	strace s3  }
0x9d: {  	_ =	strace $0x8FFFFFFF  }
0x9e: {  	s18 =	sld [smem:$0x3FDB];
	_ =	sdelay $0x1  }
0x9f: {  	s19 =	simm.s32 $_scs_section_size  }
0xa0: {  	s5 =	simm.s32 $_size__tile_overlayer_lowered;
	s6 =	simm.s32 $_tile_overlayer_lowered  }
0xa1: {  	s22 =	simm.s32 $0x1BFF;
	s21 =	sshll.u32 s6, $0x1;
	s3 =	sadd.s32 s19, s18  }
0xa2: {  	s7 =	simm.s32 $0x0;
	s20 =	sshll.u32 s5, $0x1;
	s5 =	sadd.s32 s21, s3  }
0xa3: {  	[timem:s7], [sflag:s22] =	dma.local [hbm:s5], s20  }
0xa4: {  	_ =	swait.ge [sflag:s22], s20  }
0xa5: {  	s4 =	ssub.s32 $0x0, s20;
	[sflag:s22] =	ssyncset.done $0x0  }
0xa6: {  	[sflag:s22] =	ssyncadd.s32 s4;
	_ =	sdelay $0x1  }
0xa7: {  	s23 =	simm.s32 $0x1B8B  }
0xa8: {  	_ =	swait.ge [sflag:s23], $0x1  }
0xa9: {  	[sflag:s23] =	ssyncset.done $0x0  }
0xaa: {  	s25 =	simm.s32 $0x1B8E;
	s24 =	sld [smem:$0x3FFE];
	[sflag:s23] =	ssyncadd.s32 $0xFFFFFFFF  }
0xab: {  	s26 =	simm.s32 $execute0_lowered;
	[smem:$0x3FD2] =	sst s25  }
0xac: {  	s5 =	sshll.u32 s26, $0x1;
	_ =	strace $0x80000046;
	[dreg:$0x1] =	wrdreg $0xFFFFFFFF  }
0xad: {  	s28 =	simm.s32 $_size_execute0_lowered;
	s3 =	sadd.s32 s3, s5;
	[dreg:$0x0] =	wrdreg $0x0  }
0xae: {  	s5 =	sshll.u32 s28, $0x1;
	[dreg:$0x2] =	wrdreg s3  }
0xaf: {  	[dreg:$0x3] =	wrdreg s5  }
0xb0: {  	[dreg:$0x4] =	wrdreg $0xC0  }
0xb1: {  	_ =	task [dreg:s7], $0x5FFFF  }
0xb2: {  	[dreg:$0x1] =	wrdreg $0xFFFFFFFF  }
0xb3: {  	[dreg:$0x0] =	wrdreg $0x60  }
0xb4: {  	[dreg:$0x2] =	wrdreg s24  }
0xb5: {  	[dreg:$0x3] =	wrdreg s16  }
0xb6: {  	[dreg:$0x4] =	wrdreg $0x9  }
0xb7: {  	_ =	task.clear_ibuf [dreg:s7], $0x5FFFF;
	_ =	strace $0x90000046  }
0xb8: {  	s29 =	simm.s32 $0x9;
	_ =	strace $0x80000048  }
0xb9: {  	_ =	swait.ge [sflag:s29], $0x1  }
0xba: {  	[sflag:s29] =	ssyncadd.s32 $0xFFFFFFFF  }
0xbb: {  	_ =	strace $0x90000048  }
0xbc: {  	_ =	sfence  }
0xbd: {  	s30 =	sld [smem:$0x0];
	_ =	sdelay $0x2  }
0xbe: {  	s31 =	sshll.u32 s1, $0xD;
	s1 =	sshrl.u32 s1, $0x2  }
0xbf: {  	s3 =	sand.u32 $0x4000, s31;
	s1 =	sadd.s32 s1, s30  }
0xc0: {  	s0 =	sor.u32 s3, s0;
	s1 =	sshll.u32 s1, $0x11  }
0xc1: {  	s0 =	sor.u32 s1, s0  }
0xc2: {  	s0 =	sadd.s32 $0x8F2B, s0  }
0xc3: {  	[sflag:s0] =	ssyncadd.remote.s32 $0x1  }
0xc4: {  	_ =	sfence.sel $0xFFFF  }
0xc5: {  	[dreg:$0x0] =	wrdreg $0xFFFFFFFF;
	(pc) =	sbr.abs _section_cstart, $3  }
0xc6: {  	[dreg:$0x1] =	wrdreg $0xFFFFFFFF  }
0xc7: {  	_ =	task.clear_ibuf [dreg:s7], $0x2FFFF;
	_ =	strace $0x9FFFFFFF  }
0xc8: {  	(tm) =	ssettm $0x7FFFFFFF  }
0xc9: {  	_ =	shalt  }
tec
execute0_lowered:
.L_overlay_start_1:
0x0: {  	(tag) =	ssettag $0x1  }
0x1: {  	s0 =	rddreg [dreg:$0x0];
	s2 =	stileid.u32  }
0x2: {  	s3 =	rddreg [dreg:$0x1];
	s4 =	sshll.u32 s2, $0x6;
	s2 =	simm.s32 $0x0  }
0x3: {  	s8 =	simm.s32 $0x1400;
	[smem:$0x7FF] =	sst s2  }
0x4: {  	s9 =	simm.s32 $0x100;
	_ =	strace $0x80000047;
	[dreg:$0x5] =	wrdreg s8  }
0x5: {  	s10 =	simm.s32 $0x1800;
	[dreg:$0x6] =	wrdreg s9  }
0x6: {  	s11 =	simm.s32 $0x180;
	[dreg:$0x7] =	wrdreg s10  }
0x7: {  	s12 =	simm.s32 $0x1C00;
	[dreg:$0x8] =	wrdreg s11  }
0x8: {  	s13 =	simm.s32 $0x200;
	[dreg:$0x9] =	wrdreg s12  }
0x9: {  	s14 =	simm.s32 $0x2000;
	[dreg:$0xa] =	wrdreg s13  }
0xa: {  	s15 =	simm.s32 $0x280;
	[dreg:$0xb] =	wrdreg s14  }
0xb: {  	s16 =	simm.s32 $0x2400;
	[dreg:$0xc] =	wrdreg s15  }
0xc: {  	s17 =	simm.s32 $0x300;
	[dreg:$0xd] =	wrdreg s16  }
0xd: {  	s18 =	simm.s32 $0x2800;
	[dreg:$0xe] =	wrdreg s17  }
0xe: {  	s19 =	simm.s32 $0x380;
	[dreg:$0xf] =	wrdreg s18  }
0xf: {  	s20 =	simm.s32 $0x2C00;
	[dreg:$0x10] =	wrdreg s19  }
0x10: {  	s21 =	simm.s32 $0x400;
	[dreg:$0x11] =	wrdreg s20  }
0x11: {  	s22 =	simm.s32 $0x3000;
	[dreg:$0x12] =	wrdreg s21  }
0x12: {  	s23 =	simm.s32 $0x480;
	[dreg:$0x13] =	wrdreg s22  }
0x13: {  	s24 =	simm.s32 $0x3400;
	[dreg:$0x14] =	wrdreg s23  }
0x14: {  	s25 =	simm.s32 $0x500;
	[dreg:$0x15] =	wrdreg s24  }
0x15: {  	s26 =	simm.s32 $0x3800;
	[dreg:$0x16] =	wrdreg s25  }
0x16: {  	s6 =	simm.s32 $0x600;
	[dreg:$0x17] =	wrdreg s26  }
0x17: {  	[dreg:$0x1a] =	wrdreg s6;
	s8 =	simm.s32 $0x680  }
0x18: {  	s9 =	simm.s32 $0x4400;
	[dreg:$0x1c] =	wrdreg s8  }
0x19: {  	s10 =	simm.s32 $0x700;
	[dreg:$0x1d] =	wrdreg s9  }
0x1a: {  	s11 =	simm.s32 $0x4800;
	[dreg:$0x1e] =	wrdreg s10  }
0x1b: {  	s12 =	simm.s32 $0x780;
	[dreg:$0x1f] =	wrdreg s11  }
0x1c: {  	s13 =	simm.s32 $0x4C00;
	[smem:$0x7F8] =	sst s12  }
0x1d: {  	s14 =	simm.s32 $0x800;
	[smem:$0x7F7] =	sst s13  }
0x1e: {  	s15 =	simm.s32 $0x5000;
	[smem:$0x7F9] =	sst s14  }
0x1f: {  	s16 =	simm.s32 $0x880;
	[smem:$0x7F6] =	sst s15  }
0x20: {  	s1 =	srdreg.scid;
	s17 =	simm.s32 $0x5400;
	[smem:$0x7FA] =	sst s16  }
0x21: {  	s1 =	sand.u32 $0x1, s1;
	s18 =	simm.s32 $0x900;
	[smem:$0x7F5] =	sst s17  }
0x22: {  	s5 =	sshll.u32 s1, $0x5;
	s19 =	simm.s32 $0x5800;
	[smem:$0x7FB] =	sst s18  }
0x23: {  	s4 =	sor.u32 s5, s4;
	s20 =	simm.s32 $0x980;
	[smem:$0x7F4] =	sst s19  }
0x24: {  	s21 =	simm.s32 $0x5C00;
	s23 =	simm.s32 $0xA00;
	[smem:$0x7FC] =	sst s20  }
0x25: {  	s5 =	sshll.u32 s4, $0x7;
	s4 =	sshll.u32 s4, $0x4;
	[smem:$0x7F3] =	sst s21  }
0x26: {  	[smem:$0x7FD] =	sst s23;
	s3 =	sadd.s32 s3, s4  }
0x27: {  	s5 =	sadd.s32 s5, s0;
	s4 =	simm.s32 $0x580;
	[dreg:$0x3] =	wrdreg s3  }
0x28: {  	s7 =	sadd.s32 $0x10E00, s5;
	[dreg:$0x18] =	wrdreg s4  }
0x29: {  	s5 =	simm.s32 $0x3C00;
	[dreg:$0x4] =	wrdreg s7  }
0x2a: {  	[dreg:$0x19] =	wrdreg s5  }
0x2b: {  	s7 =	simm.s32 $0x4000;
	s22 =	rddreg [dreg:$0x3]  }
0x2c: {  	s3 =	simm.s32 $0x2;
	[dreg:$0x1b] =	wrdreg s7  }
0x2d: {  	[tilespmem:s2], [sflag:$0x2] =	stream.linear.gather [hbm4b:s22+s2], $0x1000, $0x38;
	[tilespmem:$0x9000] =	vst v63  }
0x2e: {  	_ =	swait.ge [sflag:s3], $0x1000  }
0x2f: {  	s7 =	sld [smem:$0x7F3]  }
0x30: {  	s8 =	sld [smem:$0x7F4]  }
0x31: {  	s9 =	sld [smem:$0x7F5]  }
0x32: {  	s10 =	sld [smem:$0x7F6]  }
0x33: {  	s11 =	sld [smem:$0x7F7]  }
0x34: {  	s12 =	rddreg [dreg:$0x1f]  }
0x35: {  	s13 =	rddreg [dreg:$0x1d]  }
0x36: {  	s14 =	rddreg [dreg:$0x1b]  }
0x37: {  	s15 =	rddreg [dreg:$0x19]  }
0x38: {  	s16 =	rddreg [dreg:$0x17]  }
0x39: {  	s17 =	rddreg [dreg:$0x15]  }
0x3a: {  	s18 =	rddreg [dreg:$0x13]  }
0x3b: {  	s19 =	rddreg [dreg:$0x11]  }
0x3c: {  	s20 =	rddreg [dreg:$0xf]  }
0x3d: {  	s24 =	rddreg [dreg:$0x6]  }
0x3e: {  	s6 =	simm.s32 $0x80;
	s21 =	rddreg [dreg:$0x5]  }
0x3f: {  	s4 =	simm.s32 $0x1000;
	[sflag:s3] =	ssyncset.done $0x0;
	s22 =	rddreg [dreg:$0x7]  }
0x40: {  	s5 =	sadd.s32 $0xE00, s0;
	s23 =	rddreg [dreg:$0x9];
	[sflag:s3] =	ssyncadd.s32 $0xFFFFF000  }
0x41: {  	[tilespmem:s4], [sflag:$0x1] =	stream.indirect.gather [hbm4b:s5+s6], $0x8, s2, s6, $0xb8;
	[tilespmem:$0x9000] =	vst v63  }
0x42: {  	s25 =	rddreg [dreg:$0x8]  }
0x43: {  	[tilespmem:s21], [sflag:$0x1] =	stream.indirect.gather [hbm4b:s5+s6], $0x8, s6, s6, $0xb8;
	[tilespmem:$0x9000] =	vst v63  }
0x44: {  	s26 =	rddreg [dreg:$0xa]  }
0x45: {  	[tilespmem:s22], [sflag:$0x1] =	stream.indirect.gather [hbm4b:s5+s6], $0x8, s24, s6, $0xb8;
	[tilespmem:$0x9000] =	vst v63  }
0x46: {  	s22 =	rddreg [dreg:$0xb]  }
0x47: {  	s24 =	rddreg [dreg:$0xd]  }
0x48: {  	[tilespmem:s23], [sflag:$0x1] =	stream.indirect.gather [hbm4b:s5+s6], $0x8, s25, s6, $0xb8;
	[tilespmem:$0x9000] =	vst v63  }
0x49: {  	s25 =	rddreg [dreg:$0xc]  }
0x4a: {  	[tilespmem:s22], [sflag:$0x1] =	stream.indirect.gather [hbm4b:s5+s6], $0x8, s26, s6, $0xb8;
	[tilespmem:$0x9000] =	vst v63  }
0x4b: {  	s23 =	rddreg [dreg:$0x12]  }
0x4c: {  	[tilespmem:s24], [sflag:$0x1] =	stream.indirect.gather [hbm4b:s5+s6], $0x8, s25, s6, $0xb8;
	[tilespmem:$0x9000] =	vst v63  }
0x4d: {  	s26 =	rddreg [dreg:$0xe]  }
0x4e: {  	[tilespmem:s20], [sflag:$0x1] =	stream.indirect.gather [hbm4b:s5+s6], $0x8, s26, s6, $0xb8;
	[tilespmem:$0x9000] =	vst v63  }
0x4f: {  	s22 =	rddreg [dreg:$0x10]  }
0x50: {  	[tilespmem:s19], [sflag:$0x1] =	stream.indirect.gather [hbm4b:s5+s6], $0x8, s22, s6, $0xb8;
	[tilespmem:$0x9000] =	vst v63  }
0x51: {  	s24 =	rddreg [dreg:$0x14]  }
0x52: {  	[tilespmem:s18], [sflag:$0x1] =	stream.indirect.gather [hbm4b:s5+s6], $0x8, s23, s6, $0xb8;
	[tilespmem:$0x9000] =	vst v63  }
0x53: {  	s25 =	rddreg [dreg:$0x16]  }
0x54: {  	[tilespmem:s17], [sflag:$0x1] =	stream.indirect.gather [hbm4b:s5+s6], $0x8, s24, s6, $0xb8;
	[tilespmem:$0x9000] =	vst v63  }
0x55: {  	s26 =	rddreg [dreg:$0x18]  }
0x56: {  	[tilespmem:s16], [sflag:$0x1] =	stream.indirect.gather [hbm4b:s5+s6], $0x8, s25, s6, $0xb8;
	[tilespmem:$0x9000] =	vst v63  }
0x57: {  	s20 =	sld [smem:$0x7F8]  }
0x58: {  	[tilespmem:s15], [sflag:$0x1] =	stream.indirect.gather [hbm4b:s5+s6], $0x8, s26, s6, $0xb8;
	[tilespmem:$0x9000] =	vst v63  }
0x59: {  	s16 =	rddreg [dreg:$0x1a]  }
0x5a: {  	[tilespmem:s14], [sflag:$0x1] =	stream.indirect.gather [hbm4b:s5+s6], $0x8, s16, s6, $0xb8;
	[tilespmem:$0x9000] =	vst v63  }
0x5b: {  	s18 =	rddreg [dreg:$0x1c]  }
0x5c: {  	[tilespmem:s13], [sflag:$0x1] =	stream.indirect.gather [hbm4b:s5+s6], $0x8, s18, s6, $0xb8;
	[tilespmem:$0x9000] =	vst v63  }
0x5d: {  	s19 =	rddreg [dreg:$0x1e]  }
0x5e: {  	[tilespmem:s12], [sflag:$0x1] =	stream.indirect.gather [hbm4b:s5+s6], $0x8, s19, s6, $0xb8;
	[tilespmem:$0x9000] =	vst v63  }
0x5f: {  	s21 =	sld [smem:$0x7F9]  }
0x60: {  	[tilespmem:s11], [sflag:$0x1] =	stream.indirect.gather [hbm4b:s5+s6], $0x8, s20, s6, $0xb8;
	[tilespmem:$0x9000] =	vst v63  }
0x61: {  	s22 =	sld [smem:$0x7FA]  }
0x62: {  	[tilespmem:s10], [sflag:$0x1] =	stream.indirect.gather [hbm4b:s5+s6], $0x8, s21, s6, $0xb8;
	[tilespmem:$0x9000] =	vst v63  }
0x63: {  	s23 =	sld [smem:$0x7FB]  }
0x64: {  	[tilespmem:s9], [sflag:$0x1] =	stream.indirect.gather [hbm4b:s5+s6], $0x8, s22, s6, $0xb8;
	[tilespmem:$0x9000] =	vst v63  }
0x65: {  	s24 =	sld [smem:$0x7FC]  }
0x66: {  	[tilespmem:s8], [sflag:$0x1] =	stream.indirect.gather [hbm4b:s5+s6], $0x8, s23, s6, $0xb8;
	[tilespmem:$0x9000] =	vst v63  }
0x67: {  	s25 =	sld [smem:$0x7FD]  }
0x68: {  	[tilespmem:s7], [sflag:$0x1] =	stream.indirect.gather [hbm4b:s5+s6], $0x8, s24, s6, $0xb8;
	[tilespmem:$0x9000] =	vst v63  }
0x69: {  	s26 =	simm.s32 $0x6000  }
0x6a: {  	[tilespmem:s26], [sflag:$0x1] =	stream.indirect.gather [hbm4b:s5+s6], $0x8, s25, s6, $0xb8;
	[tilespmem:$0x9000] =	vst v63  }
0x6b: {  	s9 =	simm.s32 $0x6400;
	s8 =	simm.s32 $0xA80  }
0x6c: {  	[tilespmem:s9], [sflag:$0x1] =	stream.indirect.gather [hbm4b:s5+s6], $0x8, s8, s6, $0xb8;
	[tilespmem:$0x9000] =	vst v63  }
0x6d: {  	s11 =	simm.s32 $0x6800;
	s10 =	simm.s32 $0xB00  }
0x6e: {  	[tilespmem:s11], [sflag:$0x1] =	stream.indirect.gather [hbm4b:s5+s6], $0x8, s10, s6, $0xb8;
	[tilespmem:$0x9000] =	vst v63  }
0x6f: {  	s13 =	simm.s32 $0x6C00;
	s12 =	simm.s32 $0xB80  }
0x70: {  	[tilespmem:s13], [sflag:$0x1] =	stream.indirect.gather [hbm4b:s5+s6], $0x8, s12, s6, $0xb8;
	[tilespmem:$0x9000] =	vst v63  }
0x71: {  	s15 =	simm.s32 $0x7000;
	s14 =	simm.s32 $0xC00  }
0x72: {  	[tilespmem:s15], [sflag:$0x1] =	stream.indirect.gather [hbm4b:s5+s6], $0x8, s14, s6, $0xb8;
	[tilespmem:$0x9000] =	vst v63  }
0x73: {  	s17 =	simm.s32 $0x7400;
	s16 =	simm.s32 $0xC80  }
0x74: {  	[tilespmem:s17], [sflag:$0x1] =	stream.indirect.gather [hbm4b:s5+s6], $0x8, s16, s6, $0xb8;
	[tilespmem:$0x9000] =	vst v63  }
0x75: {  	s18 =	simm.s32 $0xD00;
	s19 =	simm.s32 $0x7800  }
0x76: {  	[tilespmem:s19], [sflag:$0x1] =	stream.indirect.gather [hbm4b:s5+s6], $0x8, s18, s6, $0xb8;
	[tilespmem:$0x9000] =	vst v63  }
0x77: {  	s20 =	simm.s32 $0xD80;
	s21 =	simm.s32 $0x7C00  }
0x78: {  	[tilespmem:s21], [sflag:$0x1] =	stream.indirect.gather [hbm4b:s5+s6], $0x8, s20, s6, $0xb8;
	[tilespmem:$0x9000] =	vst v63  }
0x79: {  	s22 =	simm.s32 $0xE00;
	s23 =	simm.s32 $0x8000  }
0x7a: {  	[tilespmem:s23], [sflag:$0x1] =	stream.indirect.gather [hbm4b:s5+s6], $0x8, s22, s6, $0xb8;
	[tilespmem:$0x9000] =	vst v63  }
0x7b: {  	s24 =	simm.s32 $0xE80;
	s25 =	simm.s32 $0x8400  }
0x7c: {  	[tilespmem:s25], [sflag:$0x1] =	stream.indirect.gather [hbm4b:s5+s6], $0x8, s24, s6, $0xb8;
	[tilespmem:$0x9000] =	vst v63  }
0x7d: {  	s28 =	simm.s32 $0xF00;
	s29 =	simm.s32 $0x8800  }
0x7e: {  	[tilespmem:s29], [sflag:$0x1] =	stream.indirect.gather [hbm4b:s5+s6], $0x8, s28, s6, $0xb8;
	[tilespmem:$0x9000] =	vst v63  }
0x7f: {  	s30 =	simm.s32 $0xF80;
	s31 =	simm.s32 $0x8C00;
	s20 =	simm.s32 $0x1  }
0x80: {  	[tilespmem:s31], [sflag:$0x1] =	stream.indirect.gather [hbm4b:s5+s6], $0x8, s30, s6, $0xb8;
	[tilespmem:$0x9000] =	vst v63  }
0x81: {  	_ =	swait.ge [sflag:s20], $0x400  }
0x82: {  	[sflag:s20] =	ssyncset.done $0x0  }
0x83: {  	[sflag:s20] =	ssyncadd.s32 $0xFFFFFC00  }
0x84: {  	_ =	swait.ge [sflag:s20], $0x400  }
0x85: {  	[sflag:s20] =	ssyncset.done $0x0  }
0x86: {  	[sflag:s20] =	ssyncadd.s32 $0xFFFFFC00  }
0x87: {  	_ =	swait.ge [sflag:s20], $0x400  }
0x88: {  	[sflag:s20] =	ssyncset.done $0x0  }
0x89: {  	[sflag:s20] =	ssyncadd.s32 $0xFFFFFC00  }
0x8a: {  	_ =	swait.ge [sflag:s20], $0x400  }
0x8b: {  	[sflag:s20] =	ssyncset.done $0x0  }
0x8c: {  	[sflag:s20] =	ssyncadd.s32 $0xFFFFFC00  }
0x8d: {  	_ =	swait.ge [sflag:s20], $0x400  }
0x8e: {  	[sflag:s20] =	ssyncset.done $0x0  }
0x8f: {  	[sflag:s20] =	ssyncadd.s32 $0xFFFFFC00  }
0x90: {  	_ =	swait.ge [sflag:s20], $0x400  }
0x91: {  	[sflag:s20] =	ssyncset.done $0x0  }
0x92: {  	[sflag:s20] =	ssyncadd.s32 $0xFFFFFC00  }
0x93: {  	_ =	swait.ge [sflag:s20], $0x400  }
0x94: {  	[sflag:s20] =	ssyncset.done $0x0  }
0x95: {  	[sflag:s20] =	ssyncadd.s32 $0xFFFFFC00  }
0x96: {  	_ =	swait.ge [sflag:s20], $0x400  }
0x97: {  	[sflag:s20] =	ssyncset.done $0x0  }
0x98: {  	[sflag:s20] =	ssyncadd.s32 $0xFFFFFC00  }
0x99: {  	_ =	swait.ge [sflag:s20], $0x400  }
0x9a: {  	[sflag:s20] =	ssyncset.done $0x0  }
0x9b: {  	[sflag:s20] =	ssyncadd.s32 $0xFFFFFC00  }
0x9c: {  	_ =	swait.ge [sflag:s20], $0x400  }
0x9d: {  	[sflag:s20] =	ssyncset.done $0x0  }
0x9e: {  	[sflag:s20] =	ssyncadd.s32 $0xFFFFFC00  }
0x9f: {  	_ =	swait.ge [sflag:s20], $0x400  }
0xa0: {  	[sflag:s20] =	ssyncset.done $0x0  }
0xa1: {  	[sflag:s20] =	ssyncadd.s32 $0xFFFFFC00  }
0xa2: {  	_ =	swait.ge [sflag:s20], $0x400  }
0xa3: {  	[sflag:s20] =	ssyncset.done $0x0  }
0xa4: {  	[sflag:s20] =	ssyncadd.s32 $0xFFFFFC00  }
0xa5: {  	_ =	swait.ge [sflag:s20], $0x400  }
0xa6: {  	[sflag:s20] =	ssyncset.done $0x0  }
0xa7: {  	[sflag:s20] =	ssyncadd.s32 $0xFFFFFC00  }
0xa8: {  	_ =	swait.ge [sflag:s20], $0x400  }
0xa9: {  	[sflag:s20] =	ssyncset.done $0x0  }
0xaa: {  	[sflag:s20] =	ssyncadd.s32 $0xFFFFFC00  }
0xab: {  	_ =	swait.ge [sflag:s20], $0x400  }
0xac: {  	[sflag:s20] =	ssyncset.done $0x0  }
0xad: {  	[sflag:s20] =	ssyncadd.s32 $0xFFFFFC00  }
0xae: {  	_ =	swait.ge [sflag:s20], $0x400  }
0xaf: {  	[sflag:s20] =	ssyncset.done $0x0  }
0xb0: {  	[sflag:s20] =	ssyncadd.s32 $0xFFFFFC00  }
0xb1: {  	_ =	swait.ge [sflag:s20], $0x400  }
0xb2: {  	[sflag:s20] =	ssyncset.done $0x0  }
0xb3: {  	[sflag:s20] =	ssyncadd.s32 $0xFFFFFC00  }
0xb4: {  	_ =	swait.ge [sflag:s20], $0x400  }
0xb5: {  	[sflag:s20] =	ssyncset.done $0x0  }
0xb6: {  	[sflag:s20] =	ssyncadd.s32 $0xFFFFFC00  }
0xb7: {  	_ =	swait.ge [sflag:s20], $0x400  }
0xb8: {  	[sflag:s20] =	ssyncset.done $0x0  }
0xb9: {  	[sflag:s20] =	ssyncadd.s32 $0xFFFFFC00  }
0xba: {  	_ =	swait.ge [sflag:s20], $0x400  }
0xbb: {  	[sflag:s20] =	ssyncset.done $0x0  }
0xbc: {  	[sflag:s20] =	ssyncadd.s32 $0xFFFFFC00  }
0xbd: {  	_ =	swait.ge [sflag:s20], $0x400  }
0xbe: {  	[sflag:s20] =	ssyncset.done $0x0  }
0xbf: {  	[sflag:s20] =	ssyncadd.s32 $0xFFFFFC00  }
0xc0: {  	_ =	swait.ge [sflag:s20], $0x400  }
0xc1: {  	[sflag:s20] =	ssyncset.done $0x0  }
0xc2: {  	[sflag:s20] =	ssyncadd.s32 $0xFFFFFC00  }
0xc3: {  	_ =	swait.ge [sflag:s20], $0x400  }
0xc4: {  	[sflag:s20] =	ssyncset.done $0x0  }
0xc5: {  	[sflag:s20] =	ssyncadd.s32 $0xFFFFFC00  }
0xc6: {  	_ =	swait.ge [sflag:s20], $0x400  }
0xc7: {  	[sflag:s20] =	ssyncset.done $0x0  }
0xc8: {  	[sflag:s20] =	ssyncadd.s32 $0xFFFFFC00  }
0xc9: {  	s26 =	ssub.s32 $0x2, s1;
	_ =	swait.ge [sflag:s20], $0x400  }
0xca: {  	s1 =	sshrl.u32 s26, $0x1;
	[sflag:s20] =	ssyncset.done $0x0  }
0xcb: {  	s0 =	ssub.s32 s26, s1;
	[sflag:s20] =	ssyncadd.s32 $0xFFFFFC00  }
0xcc: {  	s0 =	smax.u32 s0, $0x1;
	_ =	swait.ge [sflag:s20], $0x400  }
0xcd: {  	p0 =	sne.s32 s0, $0x1;
	[sflag:s20] =	ssyncset.done $0x0  }
.Ltmp0:
0xce: {  	[sflag:s20] =	ssyncadd.s32 $0xFFFFFC00;
	(pc) =	sbr.rel @!p0 .LBB2_2-.Ltmp0, $4  }
0xcf: {  	_ =	swait.ge [sflag:s20], $0x400  }
0xd0: {  	[sflag:s20] =	ssyncset.done $0x0  }
0xd1: {  	[sflag:s20] =	ssyncadd.s32 $0xFFFFFC00  }
0xd2: {  	s1 =	sadd.s32 $0xFFFFFFFF, s0;
	_ =	swait.ge [sflag:s20], $0x400  }
.LBB2_1:
0xd3: {  	[sflag:s20] =	ssyncset.done $0x0  }
0xd4: {  	[sflag:s20] =	ssyncadd.s32 $0xFFFFFC00  }
0xd5: {  	_ =	swait.ge [sflag:s20], $0x400  }
0xd6: {  	[sflag:s20] =	ssyncset.done $0x0  }
0xd7: {  	[sflag:s20] =	ssyncadd.s32 $0xFFFFFC00  }
0xd8: {  	_ =	swait.ge [sflag:s20], $0x400  }
0xd9: {  	[sflag:s20] =	ssyncset.done $0x0  }
0xda: {  	[sflag:s20] =	ssyncadd.s32 $0xFFFFFC00  }
0xdb: {  	_ =	swait.ge [sflag:s20], $0x400  }
0xdc: {  	[sflag:s20] =	ssyncset.done $0x0  }
0xdd: {  	[sflag:s20] =	ssyncadd.s32 $0xFFFFFC00  }
0xde: {  	_ =	swait.ge [sflag:s20], $0x400  }
0xdf: {  	[sflag:s20] =	ssyncset.done $0x0  }
0xe0: {  	s0 =	rddreg [dreg:$0x4];
	[sflag:s20] =	ssyncadd.s32 $0xFFFFFC00  }
0xe1: {  	[hbm4b:s0+s2] =	stream.linear.scatter [tilespmem:s4], [sflag:$0x2], $0x8000, $0x38;
	[tilespmem:$0x9000] =	vst v63  }
0xe2: {  	_ =	swait.ge [sflag:s3], $0x8000  }
0xe3: {  	[sflag:s3] =	ssyncset.done $0x0  }
0xe4: {  	s24 =	rddreg [dreg:$0x3];
	[sflag:s3] =	ssyncadd.s32 $0xFFFF8000  }
0xe5: {  	[tilespmem:s2], [sflag:$0x2] =	stream.linear.gather [hbm4b:s24+s2], $0x1000, $0x38;
	[tilespmem:$0x9000] =	vst v63  }
0xe6: {  	_ =	swait.ge [sflag:s3], $0x1000  }
0xe7: {  	s0 =	sld [smem:$0x7F3]  }
0xe8: {  	s7 =	sld [smem:$0x7F4]  }
0xe9: {  	s8 =	sld [smem:$0x7F5]  }
0xea: {  	s9 =	sld [smem:$0x7F6]  }
0xeb: {  	s10 =	sld [smem:$0x7F7]  }
0xec: {  	s11 =	rddreg [dreg:$0x1f]  }
0xed: {  	s12 =	rddreg [dreg:$0x1d]  }
0xee: {  	s13 =	rddreg [dreg:$0x1b]  }
0xef: {  	s14 =	rddreg [dreg:$0x19]  }
0xf0: {  	s15 =	rddreg [dreg:$0x17]  }
0xf1: {  	s16 =	rddreg [dreg:$0x15]  }
0xf2: {  	s17 =	rddreg [dreg:$0x13]  }
0xf3: {  	s18 =	rddreg [dreg:$0x11]  }
0xf4: {  	s19 =	rddreg [dreg:$0xf]  }
0xf5: {  	s21 =	rddreg [dreg:$0xd]  }
0xf6: {  	s22 =	rddreg [dreg:$0xb]  }
0xf7: {  	s23 =	rddreg [dreg:$0x6]  }
0xf8: {  	[sflag:s3] =	ssyncset.done $0x0;
	s24 =	rddreg [dreg:$0x5]  }
0xf9: {  	s25 =	rddreg [dreg:$0x7];
	[sflag:s3] =	ssyncadd.s32 $0xFFFFF000  }
0xfa: {  	[tilespmem:s4], [sflag:$0x1] =	stream.indirect.gather [hbm4b:s5+s6], $0x8, s2, s6, $0xb8;
	[tilespmem:$0x9000] =	vst v63  }
0xfb: {  	s26 =	rddreg [dreg:$0x9]  }
0xfc: {  	[tilespmem:s24], [sflag:$0x1] =	stream.indirect.gather [hbm4b:s5+s6], $0x8, s6, s6, $0xb8;
	[tilespmem:$0x9000] =	vst v63  }
0xfd: {  	s24 =	rddreg [dreg:$0x8]  }
0xfe: {  	[tilespmem:s25], [sflag:$0x1] =	stream.indirect.gather [hbm4b:s5+s6], $0x8, s23, s6, $0xb8;
	[tilespmem:$0x9000] =	vst v63  }
0xff: {  	s25 =	rddreg [dreg:$0xa]  }
0x100: {  	[tilespmem:s26], [sflag:$0x1] =	stream.indirect.gather [hbm4b:s5+s6], $0x8, s24, s6, $0xb8;
	[tilespmem:$0x9000] =	vst v63  }
0x101: {  	s23 =	rddreg [dreg:$0x14]  }
0x102: {  	[tilespmem:s22], [sflag:$0x1] =	stream.indirect.gather [hbm4b:s5+s6], $0x8, s25, s6, $0xb8;
	[tilespmem:$0x9000] =	vst v63  }
0x103: {  	s26 =	rddreg [dreg:$0xc]  }
0x104: {  	[tilespmem:s21], [sflag:$0x1] =	stream.indirect.gather [hbm4b:s5+s6], $0x8, s26, s6, $0xb8;
	[tilespmem:$0x9000] =	vst v63  }
0x105: {  	s25 =	rddreg [dreg:$0xe]  }
0x106: {  	[tilespmem:s19], [sflag:$0x1] =	stream.indirect.gather [hbm4b:s5+s6], $0x8, s25, s6, $0xb8;
	[tilespmem:$0x9000] =	vst v63  }
0x107: {  	s26 =	rddreg [dreg:$0x10]  }
0x108: {  	[tilespmem:s18], [sflag:$0x1] =	stream.indirect.gather [hbm4b:s5+s6], $0x8, s26, s6, $0xb8;
	[tilespmem:$0x9000] =	vst v63  }
0x109: {  	s22 =	rddreg [dreg:$0x12]  }
0x10a: {  	[tilespmem:s17], [sflag:$0x1] =	stream.indirect.gather [hbm4b:s5+s6], $0x8, s22, s6, $0xb8;
	[tilespmem:$0x9000] =	vst v63  }
0x10b: {  	s24 =	rddreg [dreg:$0x16]  }
0x10c: {  	[tilespmem:s16], [sflag:$0x1] =	stream.indirect.gather [hbm4b:s5+s6], $0x8, s23, s6, $0xb8;
	[tilespmem:$0x9000] =	vst v63  }
0x10d: {  	s25 =	rddreg [dreg:$0x18]  }
0x10e: {  	[tilespmem:s15], [sflag:$0x1] =	stream.indirect.gather [hbm4b:s5+s6], $0x8, s24, s6, $0xb8;
	[tilespmem:$0x9000] =	vst v63  }
0x10f: {  	s19 =	sld [smem:$0x7F8]  }
0x110: {  	[tilespmem:s14], [sflag:$0x1] =	stream.indirect.gather [hbm4b:s5+s6], $0x8, s25, s6, $0xb8;
	[tilespmem:$0x9000] =	vst v63  }
0x111: {  	s26 =	rddreg [dreg:$0x1a]  }
0x112: {  	[tilespmem:s13], [sflag:$0x1] =	stream.indirect.gather [hbm4b:s5+s6], $0x8, s26, s6, $0xb8;
	[tilespmem:$0x9000] =	vst v63  }
0x113: {  	s17 =	rddreg [dreg:$0x1c]  }
0x114: {  	[tilespmem:s12], [sflag:$0x1] =	stream.indirect.gather [hbm4b:s5+s6], $0x8, s17, s6, $0xb8;
	[tilespmem:$0x9000] =	vst v63  }
0x115: {  	s18 =	rddreg [dreg:$0x1e]  }
0x116: {  	[tilespmem:s11], [sflag:$0x1] =	stream.indirect.gather [hbm4b:s5+s6], $0x8, s18, s6, $0xb8;
	[tilespmem:$0x9000] =	vst v63  }
0x117: {  	s21 =	sld [smem:$0x7F9]  }
0x118: {  	[tilespmem:s10], [sflag:$0x1] =	stream.indirect.gather [hbm4b:s5+s6], $0x8, s19, s6, $0xb8;
	[tilespmem:$0x9000] =	vst v63  }
0x119: {  	s22 =	sld [smem:$0x7FA]  }
0x11a: {  	[tilespmem:s9], [sflag:$0x1] =	stream.indirect.gather [hbm4b:s5+s6], $0x8, s21, s6, $0xb8;
	[tilespmem:$0x9000] =	vst v63  }
0x11b: {  	s23 =	sld [smem:$0x7FB]  }
0x11c: {  	[tilespmem:s8], [sflag:$0x1] =	stream.indirect.gather [hbm4b:s5+s6], $0x8, s22, s6, $0xb8;
	[tilespmem:$0x9000] =	vst v63  }
0x11d: {  	s24 =	sld [smem:$0x7FC]  }
0x11e: {  	[tilespmem:s7], [sflag:$0x1] =	stream.indirect.gather [hbm4b:s5+s6], $0x8, s23, s6, $0xb8;
	[tilespmem:$0x9000] =	vst v63  }
0x11f: {  	s25 =	sld [smem:$0x7FD]  }
0x120: {  	[tilespmem:s0], [sflag:$0x1] =	stream.indirect.gather [hbm4b:s5+s6], $0x8, s24, s6, $0xb8;
	[tilespmem:$0x9000] =	vst v63  }
0x121: {  	s26 =	simm.s32 $0x6000  }
0x122: {  	[tilespmem:s26], [sflag:$0x1] =	stream.indirect.gather [hbm4b:s5+s6], $0x8, s25, s6, $0xb8;
	[tilespmem:$0x9000] =	vst v63  }
0x123: {  	s9 =	simm.s32 $0x6400;
	s8 =	simm.s32 $0xA80  }
0x124: {  	[tilespmem:s9], [sflag:$0x1] =	stream.indirect.gather [hbm4b:s5+s6], $0x8, s8, s6, $0xb8;
	[tilespmem:$0x9000] =	vst v63  }
0x125: {  	s11 =	simm.s32 $0x6800;
	s10 =	simm.s32 $0xB00  }
0x126: {  	[tilespmem:s11], [sflag:$0x1] =	stream.indirect.gather [hbm4b:s5+s6], $0x8, s10, s6, $0xb8;
	[tilespmem:$0x9000] =	vst v63  }
0x127: {  	s13 =	simm.s32 $0x6C00;
	s12 =	simm.s32 $0xB80  }
0x128: {  	[tilespmem:s13], [sflag:$0x1] =	stream.indirect.gather [hbm4b:s5+s6], $0x8, s12, s6, $0xb8;
	[tilespmem:$0x9000] =	vst v63  }
0x129: {  	s15 =	simm.s32 $0x7000;
	s14 =	simm.s32 $0xC00  }
0x12a: {  	[tilespmem:s15], [sflag:$0x1] =	stream.indirect.gather [hbm4b:s5+s6], $0x8, s14, s6, $0xb8;
	[tilespmem:$0x9000] =	vst v63  }
0x12b: {  	s16 =	simm.s32 $0xC80;
	s17 =	simm.s32 $0x7400  }
0x12c: {  	[tilespmem:s17], [sflag:$0x1] =	stream.indirect.gather [hbm4b:s5+s6], $0x8, s16, s6, $0xb8;
	[tilespmem:$0x9000] =	vst v63  }
0x12d: {  	s18 =	simm.s32 $0xD00;
	s19 =	simm.s32 $0x7800  }
0x12e: {  	[tilespmem:s19], [sflag:$0x1] =	stream.indirect.gather [hbm4b:s5+s6], $0x8, s18, s6, $0xb8;
	[tilespmem:$0x9000] =	vst v63  }
0x12f: {  	s21 =	simm.s32 $0xD80;
	s22 =	simm.s32 $0x7C00  }
0x130: {  	[tilespmem:s22], [sflag:$0x1] =	stream.indirect.gather [hbm4b:s5+s6], $0x8, s21, s6, $0xb8;
	[tilespmem:$0x9000] =	vst v63  }
0x131: {  	s23 =	simm.s32 $0xE00;
	s24 =	simm.s32 $0x8000  }
0x132: {  	[tilespmem:s24], [sflag:$0x1] =	stream.indirect.gather [hbm4b:s5+s6], $0x8, s23, s6, $0xb8;
	[tilespmem:$0x9000] =	vst v63  }
0x133: {  	s25 =	simm.s32 $0xE80;
	s26 =	simm.s32 $0x8400  }
0x134: {  	[tilespmem:s26], [sflag:$0x1] =	stream.indirect.gather [hbm4b:s5+s6], $0x8, s25, s6, $0xb8;
	[tilespmem:$0x9000] =	vst v63  }
0x135: {  	_ = 	snop  }
0x136: {  	[tilespmem:s29], [sflag:$0x1] =	stream.indirect.gather [hbm4b:s5+s6], $0x8, s28, s6, $0xb8;
	[tilespmem:$0x9000] =	vst v63  }
0x137: {  	_ = 	snop  }
0x138: {  	[tilespmem:s31], [sflag:$0x1] =	stream.indirect.gather [hbm4b:s5+s6], $0x8, s30, s6, $0xb8;
	[tilespmem:$0x9000] =	vst v63  }
0x139: {  	_ =	swait.ge [sflag:s20], $0x400  }
0x13a: {  	[sflag:s20] =	ssyncset.done $0x0  }
0x13b: {  	[sflag:s20] =	ssyncadd.s32 $0xFFFFFC00  }
0x13c: {  	_ =	swait.ge [sflag:s20], $0x400  }
0x13d: {  	[sflag:s20] =	ssyncset.done $0x0  }
0x13e: {  	[sflag:s20] =	ssyncadd.s32 $0xFFFFFC00  }
0x13f: {  	_ =	swait.ge [sflag:s20], $0x400  }
0x140: {  	[sflag:s20] =	ssyncset.done $0x0  }
0x141: {  	[sflag:s20] =	ssyncadd.s32 $0xFFFFFC00  }
0x142: {  	_ =	swait.ge [sflag:s20], $0x400  }
0x143: {  	[sflag:s20] =	ssyncset.done $0x0  }
0x144: {  	[sflag:s20] =	ssyncadd.s32 $0xFFFFFC00  }
0x145: {  	_ =	swait.ge [sflag:s20], $0x400  }
0x146: {  	[sflag:s20] =	ssyncset.done $0x0  }
0x147: {  	[sflag:s20] =	ssyncadd.s32 $0xFFFFFC00  }
0x148: {  	_ =	swait.ge [sflag:s20], $0x400  }
0x149: {  	[sflag:s20] =	ssyncset.done $0x0  }
0x14a: {  	[sflag:s20] =	ssyncadd.s32 $0xFFFFFC00  }
0x14b: {  	_ =	swait.ge [sflag:s20], $0x400  }
0x14c: {  	[sflag:s20] =	ssyncset.done $0x0  }
0x14d: {  	[sflag:s20] =	ssyncadd.s32 $0xFFFFFC00  }
0x14e: {  	_ =	swait.ge [sflag:s20], $0x400  }
0x14f: {  	[sflag:s20] =	ssyncset.done $0x0  }
0x150: {  	[sflag:s20] =	ssyncadd.s32 $0xFFFFFC00  }
0x151: {  	_ =	swait.ge [sflag:s20], $0x400  }
0x152: {  	[sflag:s20] =	ssyncset.done $0x0  }
0x153: {  	[sflag:s20] =	ssyncadd.s32 $0xFFFFFC00  }
0x154: {  	_ =	swait.ge [sflag:s20], $0x400  }
0x155: {  	[sflag:s20] =	ssyncset.done $0x0  }
0x156: {  	[sflag:s20] =	ssyncadd.s32 $0xFFFFFC00  }
0x157: {  	_ =	swait.ge [sflag:s20], $0x400  }
0x158: {  	[sflag:s20] =	ssyncset.done $0x0  }
0x159: {  	[sflag:s20] =	ssyncadd.s32 $0xFFFFFC00  }
0x15a: {  	_ =	swait.ge [sflag:s20], $0x400  }
0x15b: {  	[sflag:s20] =	ssyncset.done $0x0  }
0x15c: {  	[sflag:s20] =	ssyncadd.s32 $0xFFFFFC00  }
0x15d: {  	_ =	swait.ge [sflag:s20], $0x400  }
0x15e: {  	[sflag:s20] =	ssyncset.done $0x0  }
0x15f: {  	[sflag:s20] =	ssyncadd.s32 $0xFFFFFC00  }
0x160: {  	_ =	swait.ge [sflag:s20], $0x400  }
0x161: {  	[sflag:s20] =	ssyncset.done $0x0  }
0x162: {  	[sflag:s20] =	ssyncadd.s32 $0xFFFFFC00  }
0x163: {  	_ =	swait.ge [sflag:s20], $0x400  }
0x164: {  	[sflag:s20] =	ssyncset.done $0x0  }
0x165: {  	[sflag:s20] =	ssyncadd.s32 $0xFFFFFC00  }
0x166: {  	_ =	swait.ge [sflag:s20], $0x400  }
0x167: {  	[sflag:s20] =	ssyncset.done $0x0  }
0x168: {  	[sflag:s20] =	ssyncadd.s32 $0xFFFFFC00  }
0x169: {  	_ =	swait.ge [sflag:s20], $0x400  }
0x16a: {  	[sflag:s20] =	ssyncset.done $0x0  }
0x16b: {  	[sflag:s20] =	ssyncadd.s32 $0xFFFFFC00  }
0x16c: {  	_ =	swait.ge [sflag:s20], $0x400  }
0x16d: {  	[sflag:s20] =	ssyncset.done $0x0  }
0x16e: {  	[sflag:s20] =	ssyncadd.s32 $0xFFFFFC00  }
0x16f: {  	_ =	swait.ge [sflag:s20], $0x400  }
0x170: {  	[sflag:s20] =	ssyncset.done $0x0  }
0x171: {  	[sflag:s20] =	ssyncadd.s32 $0xFFFFFC00  }
0x172: {  	_ =	swait.ge [sflag:s20], $0x400  }
0x173: {  	[sflag:s20] =	ssyncset.done $0x0  }
0x174: {  	[sflag:s20] =	ssyncadd.s32 $0xFFFFFC00  }
0x175: {  	_ =	swait.ge [sflag:s20], $0x400  }
0x176: {  	[sflag:s20] =	ssyncset.done $0x0  }
0x177: {  	[sflag:s20] =	ssyncadd.s32 $0xFFFFFC00  }
0x178: {  	_ =	swait.ge [sflag:s20], $0x400  }
0x179: {  	[sflag:s20] =	ssyncset.done $0x0  }
0x17a: {  	[sflag:s20] =	ssyncadd.s32 $0xFFFFFC00  }
0x17b: {  	_ =	swait.ge [sflag:s20], $0x400  }
0x17c: {  	[sflag:s20] =	ssyncset.done $0x0  }
0x17d: {  	[sflag:s20] =	ssyncadd.s32 $0xFFFFFC00  }
0x17e: {  	_ =	swait.ge [sflag:s20], $0x400  }
0x17f: {  	[sflag:s20] =	ssyncset.done $0x0  }
0x180: {  	[sflag:s20] =	ssyncadd.s32 $0xFFFFFC00  }
0x181: {  	_ =	swait.ge [sflag:s20], $0x400  }
0x182: {  	[sflag:s20] =	ssyncset.done $0x0  }
0x183: {  	[sflag:s20] =	ssyncadd.s32 $0xFFFFFC00  }
0x184: {  	_ =	swait.ge [sflag:s20], $0x400  }
0x185: {  	p0 =	sne.s32 s1, $0x1;
	[sflag:s20] =	ssyncset.done $0x0  }
.Ltmp1:
0x186: {  	[sflag:s20] =	ssyncadd.s32 $0xFFFFFC00;
	(pc) =	sbr.rel @p0 .LBB2_1-.Ltmp1, $4  }
0x187: {  	_ =	swait.ge [sflag:s20], $0x400  }
0x188: {  	[sflag:s20] =	ssyncset.done $0x0  }
0x189: {  	[sflag:s20] =	ssyncadd.s32 $0xFFFFFC00  }
0x18a: {  	s1 =	sadd.s32 $0xFFFFFFFF, s1;
	_ =	swait.ge [sflag:s20], $0x400  }
.LBB2_2:
0x18b: {  	[sflag:s20] =	ssyncset.done $0x0  }
0x18c: {  	[sflag:s20] =	ssyncadd.s32 $0xFFFFFC00  }
0x18d: {  	_ =	swait.ge [sflag:s20], $0x400  }
0x18e: {  	[sflag:s20] =	ssyncset.done $0x0  }
0x18f: {  	[sflag:s20] =	ssyncadd.s32 $0xFFFFFC00  }
0x190: {  	_ =	swait.ge [sflag:s20], $0x400  }
0x191: {  	[sflag:s20] =	ssyncset.done $0x0  }
0x192: {  	[sflag:s20] =	ssyncadd.s32 $0xFFFFFC00  }
0x193: {  	_ =	swait.ge [sflag:s20], $0x400  }
0x194: {  	[sflag:s20] =	ssyncset.done $0x0  }
0x195: {  	[sflag:s20] =	ssyncadd.s32 $0xFFFFFC00  }
0x196: {  	_ =	swait.ge [sflag:s20], $0x400  }
0x197: {  	[sflag:s20] =	ssyncset.done $0x0  }
0x198: {  	s0 =	rddreg [dreg:$0x4];
	[sflag:s20] =	ssyncadd.s32 $0xFFFFFC00  }
0x199: {  	[hbm4b:s0+s2] =	stream.linear.scatter [tilespmem:s4], [sflag:$0x2], $0x8000, $0x38;
	[tilespmem:$0x9000] =	vst v63  }
0x19a: {  	_ =	swait.ge [sflag:s3], $0x8000  }
0x19b: {  	[sflag:s3] =	ssyncset.done $0x0  }
0x19c: {  	[sflag:s3] =	ssyncadd.s32 $0xFFFF8000  }
0x19d: {  	_ =	sfence.sel $0x180000  }
0x19e: {  	[bflag:$0x0] =	sbarrier.arrive $0xFFFF  }
0x19f: {  	_ =	strace $0x90000047  }
0x1a0: {  	s31 =	stileid.u32;
	[bflag:$0x2] =	sbarrier.arrive $0xFFFF  }
0x1a1: {  	p0 =	sne.s32 s31, $0x0;
	s0 =	rddreg [dreg:$0x2]  }
0x1a2: {  	s0 =	sadd.s32 @!p0 $0x100000, s0  }
0x1a3: {  	[sflag:s0] =	ssyncadd.tile.s32 @!p0 $0x1;
	_ =	shalt  }
.Lfunc_end2:
_tile_overlayer_lowered:
.L_overlay_start_2:
0x1a4: {  	(tag) =	ssettag $0x2  }
0x1a5: {  	s0 =	rddreg [dreg:$0x0];
	s2 =	stileid.u32  }
0x1a6: {  	s1 =	rddreg [dreg:$0x1];
	p0 =	sne.s32 s2, $0x0  }
0x1a7: {  	s3 =	rddreg [dreg:$0x2];
	[bflag:$0x3] =	sbarrier.arrive $0xFFFF;
	s2 =	simm.s32 @!p0 $0x1C02  }
0x1a8: {  	[timem:s3], [sflag:s2] =	dma.local @!p0 [hbm:s0], s1  }
0x1a9: {  	s0 =	simm.s32 @!p0 $0x2  }
0x1aa: {  	_ =	swait.ge @!p0 [sflag:s0], s1  }
0x1ab: {  	s1 =	ssub.s32 @!p0 $0x0, s1;
	[sflag:s0] =	ssyncset.done @!p0 $0x0  }
0x1ac: {  	[sflag:s0] =	ssyncadd.s32 @!p0 s1  }
0x1ad: {  	[bflag:$0x3] =	sbarrier.arrive $0xFFFF  }
0x1ae: {  	_ =	shalt  }

</sc_bundles>
